<compile_context>
chip_gen: v7x
topology: tpu7x:2x2x1
jax: 0.10.2.dev20260603
libtpu: 0.0.44.dev20260713+nightly
codegen_flags: <defaults>
</compile_context>

<pallas_src>
import functools

import jax
import jax.numpy as jnp
from jax import lax
from jax.experimental import pallas as pl
from jax.experimental.pallas import tpu as pltpu
from jax.experimental.pallas import tpu_sc as plsc

N = 10000
NP = 10240
E = 320000
EP = 327680
D_IN = 128
D_HID = 128
NCLS = 40
NC = 2
NS = 16
CHUNK = 128
EW = EP // (NC * NS)
RW = EW // CHUNK
RPT = NP // NS
RB = 5000


def _sc_mesh():
  return plsc.VectorSubcoreMesh(core_axis_name="c", subcore_axis_name="s",
                                num_cores=NC, num_subcores=NS)


def _scatter_l0(table, srcm, dstm, zfeat, zdeg):

  def body(table, srcm, dstm, zfeat, zdeg, acc_out, deg_out,
           sw, dst_v, rows0, rows1, ones_v, acc_sh, deg_sh,
           g0, g1, is0, is1, zsem):
    c = lax.axis_index("c")
    s = lax.axis_index("s")
    w = c * NS + s
    r0 = s * RPT
    z0 = pltpu.async_copy(zfeat.at[pl.ds(r0, RPT)], acc_sh.at[pl.ds(r0, RPT)], zsem)
    z1 = pltpu.async_copy(zdeg.at[pl.ds(r0, RPT)], deg_sh.at[pl.ds(r0, RPT)], zsem)
    rb = w * RW
    pltpu.sync_copy(dstm.at[pl.ds(rb, RW)], dst_v)
    for i in range(CHUNK // 16):
      ones_v[pl.ds(i * 16, 16)] = jnp.full((16,), 1.0, jnp.float32)
    pltpu.sync_copy(srcm.at[pl.ds(rb, 1)], sw.at[0])
    pltpu.sync_copy(srcm.at[pl.ds(rb + 1, 1)], sw.at[1])
    pltpu.async_copy(table.at[sw.at[0, 0]], rows0, g0)
    pltpu.async_copy(table.at[sw.at[1, 0]], rows1, g1)
    z0.wait()
    z1.wait()
    plsc.subcore_barrier()

    def step(i, carry):
      k = 2 * i
      pltpu.make_async_copy(table.at[sw.at[0, 0]], rows0, g0).wait()

      @pl.when(k + 2 < RW)
      def _():
        pltpu.async_copy(srcm.at[pl.ds(rb + k + 2, 1)], sw.at[0], is0)

      pltpu.sync_copy(ones_v, deg_sh.at[dst_v.at[k]], add=True)
      pltpu.sync_copy(rows0, acc_sh.at[dst_v.at[k]], add=True)

      @pl.when(k + 2 < RW)
      def _():
        pltpu.make_async_copy(srcm.at[pl.ds(rb + k + 2, 1)], sw.at[0], is0).wait()
        pltpu.async_copy(table.at[sw.at[0, 0]], rows0, g0)

      pltpu.make_async_copy(table.at[sw.at[1, 0]], rows1, g1).wait()

      @pl.when(k + 3 < RW)
      def _():
        pltpu.async_copy(srcm.at[pl.ds(rb + k + 3, 1)], sw.at[1], is1)

      pltpu.sync_copy(ones_v, deg_sh.at[dst_v.at[k + 1]], add=True)
      pltpu.sync_copy(rows1, acc_sh.at[dst_v.at[k + 1]], add=True)

      @pl.when(k + 3 < RW)
      def _():
        pltpu.make_async_copy(srcm.at[pl.ds(rb + k + 3, 1)], sw.at[1], is1).wait()
        pltpu.async_copy(table.at[sw.at[1, 0]], rows1, g1)

      return carry

    lax.fori_loop(0, RW // 2, step, 0)
    plsc.subcore_barrier()
    o0 = pltpu.async_copy(acc_sh.at[pl.ds(r0, RPT)], acc_out.at[c, pl.ds(r0, RPT)], zsem)
    o1 = pltpu.async_copy(deg_sh.at[pl.ds(r0, RPT)], deg_out.at[c, pl.ds(r0, RPT)], zsem)
    o0.wait()
    o1.wait()

  f = pl.kernel(
      body,
      out_type=(jax.ShapeDtypeStruct((NC, NP, D_IN), jnp.float32),
                jax.ShapeDtypeStruct((NC, NP), jnp.float32)),
      mesh=_sc_mesh(),
      scratch_types=(
          pltpu.VMEM((2, 1, CHUNK), jnp.int32),
          pltpu.VMEM((RW, CHUNK), jnp.int32),
          pltpu.VMEM((CHUNK, D_IN), jnp.float32),
          pltpu.VMEM((CHUNK, D_IN), jnp.float32),
          pltpu.VMEM((CHUNK,), jnp.float32),
          pltpu.VMEM_SHARED((NP, D_IN), jnp.float32),
          pltpu.VMEM_SHARED((NP,), jnp.float32),
          pltpu.SemaphoreType.DMA,
          pltpu.SemaphoreType.DMA,
          pltpu.SemaphoreType.DMA,
          pltpu.SemaphoreType.DMA,
          pltpu.SemaphoreType.DMA,
      ),
      name="sage_scatter_l0",
  )
  return f(table, srcm, dstm, zfeat, zdeg)


def _scatter_l1(table, srcm, dstm, zp):

  def body(table, srcm, dstm, zp, acc_out, sw, dst_v, rows0, rows1,
           acc_sh, g0, g1, is0, is1, zsem):
    c = lax.axis_index("c")
    s = lax.axis_index("s")
    w = c * NS + s
    r0 = s * RPT
    z0 = pltpu.async_copy(zp.at[pl.ds(r0, RPT)], acc_sh.at[pl.ds(r0, RPT)], zsem)
    rb = w * RW
    pltpu.sync_copy(dstm.at[pl.ds(rb, RW)], dst_v)
    pltpu.sync_copy(srcm.at[pl.ds(rb, 1)], sw.at[0])
    pltpu.sync_copy(srcm.at[pl.ds(rb + 1, 1)], sw.at[1])
    pltpu.async_copy(table.at[sw.at[0, 0]], rows0, g0)
    pltpu.async_copy(table.at[sw.at[1, 0]], rows1, g1)
    z0.wait()
    plsc.subcore_barrier()

    def step(i, carry):
      k = 2 * i
      pltpu.make_async_copy(table.at[sw.at[0, 0]], rows0, g0).wait()

      @pl.when(k + 2 < RW)
      def _():
        pltpu.async_copy(srcm.at[pl.ds(rb + k + 2, 1)], sw.at[0], is0)

      pltpu.sync_copy(rows0, acc_sh.at[dst_v.at[k]], add=True)

      @pl.when(k + 2 < RW)
      def _():
        pltpu.make_async_copy(srcm.at[pl.ds(rb + k + 2, 1)], sw.at[0], is0).wait()
        pltpu.async_copy(table.at[sw.at[0, 0]], rows0, g0)

      pltpu.make_async_copy(table.at[sw.at[1, 0]], rows1, g1).wait()

      @pl.when(k + 3 < RW)
      def _():
        pltpu.async_copy(srcm.at[pl.ds(rb + k + 3, 1)], sw.at[1], is1)

      pltpu.sync_copy(rows1, acc_sh.at[dst_v.at[k + 1]], add=True)

      @pl.when(k + 3 < RW)
      def _():
        pltpu.make_async_copy(srcm.at[pl.ds(rb + k + 3, 1)], sw.at[1], is1).wait()
        pltpu.async_copy(table.at[sw.at[1, 0]], rows1, g1)

      return carry

    lax.fori_loop(0, RW // 2, step, 0)
    plsc.subcore_barrier()
    pltpu.sync_copy(acc_sh.at[pl.ds(r0, RPT)], acc_out.at[c, pl.ds(r0, RPT)])

  f = pl.kernel(
      body,
      out_type=jax.ShapeDtypeStruct((NC, NP, D_HID), jnp.float32),
      mesh=_sc_mesh(),
      scratch_types=(
          pltpu.VMEM((2, 1, CHUNK), jnp.int32),
          pltpu.VMEM((RW, CHUNK), jnp.int32),
          pltpu.VMEM((CHUNK, D_HID), jnp.float32),
          pltpu.VMEM((CHUNK, D_HID), jnp.float32),
          pltpu.VMEM_SHARED((NP, D_HID), jnp.float32),
          pltpu.SemaphoreType.DMA,
          pltpu.SemaphoreType.DMA,
          pltpu.SemaphoreType.DMA,
          pltpu.SemaphoreType.DMA,
          pltpu.SemaphoreType.DMA,
      ),
      name="sage_scatter_l1",
  )
  return f(table, srcm, dstm, zp)


def _dense_body(x_ref, acc_ref, degt_ref, ws0_ref, wn0_ref, bs0_ref, bn0_ref,
                ws1_ref, bs1_ref, bn1_ref, h_ref, s_ref):
  deg = degt_ref[:, 0:1] + degt_ref[:, 1:2]
  inv = 1.0 / jnp.maximum(deg, 1.0)
  hn = (acc_ref[0] + acc_ref[1]) * inv
  t = (jnp.dot(x_ref[...], ws0_ref[...], preferred_element_type=jnp.float32)
       + jnp.dot(hn, wn0_ref[...], preferred_element_type=jnp.float32)
       + bs0_ref[...] + bn0_ref[...])
  h = jnp.maximum(t, 0.0)
  nrm = jnp.sqrt(jnp.sum(h * h, axis=1, keepdims=True))
  h = h / jnp.maximum(nrm, 1e-12)
  h_ref[...] = h
  s_ref[...] = (jnp.dot(h, ws1_ref[...], preferred_element_type=jnp.float32)
                + bs1_ref[...] + bn1_ref[...])


def _dense(x, acc, degt, ws0, wn0, bs0, bn0, ws1, bs1, bn1):
  grid = (N // RB,)
  return pl.pallas_call(
      _dense_body,
      grid=grid,
      in_specs=[
          pl.BlockSpec((RB, D_IN), lambda i: (i, 0)),
          pl.BlockSpec((NC, RB, D_IN), lambda i: (0, i, 0)),
          pl.BlockSpec((RB, NC), lambda i: (i, 0)),
          pl.BlockSpec((D_IN, D_HID), lambda i: (0, 0)),
          pl.BlockSpec((D_IN, D_HID), lambda i: (0, 0)),
          pl.BlockSpec((1, D_HID), lambda i: (0, 0)),
          pl.BlockSpec((1, D_HID), lambda i: (0, 0)),
          pl.BlockSpec((D_HID, NCLS), lambda i: (0, 0)),
          pl.BlockSpec((1, NCLS), lambda i: (0, 0)),
          pl.BlockSpec((1, NCLS), lambda i: (0, 0)),
      ],
      out_specs=[
          pl.BlockSpec((RB, D_HID), lambda i: (i, 0)),
          pl.BlockSpec((RB, NCLS), lambda i: (i, 0)),
      ],
      out_shape=[
          jax.ShapeDtypeStruct((N, D_HID), jnp.float32),
          jax.ShapeDtypeStruct((N, NCLS), jnp.float32),
      ],
      name="sage_dense",
  )(x, acc, degt, ws0, wn0, bs0, bn0, ws1, bs1, bn1)


def _combine_body(s_ref, acc1_ref, degt_ref, wn1_ref, o_ref):
  deg = degt_ref[:, 0:1] + degt_ref[:, 1:2]
  inv = 1.0 / jnp.maximum(deg, 1.0)
  hn = (acc1_ref[0] + acc1_ref[1]) * inv
  o_ref[...] = s_ref[...] + jnp.dot(hn, wn1_ref[...],
                                    preferred_element_type=jnp.float32)


def _combine(s, acc1, degt, wn1):
  grid = (N // RB,)
  return pl.pallas_call(
      _combine_body,
      grid=grid,
      in_specs=[
          pl.BlockSpec((RB, NCLS), lambda i: (i, 0)),
          pl.BlockSpec((NC, RB, D_HID), lambda i: (0, i, 0)),
          pl.BlockSpec((RB, NC), lambda i: (i, 0)),
          pl.BlockSpec((D_HID, NCLS), lambda i: (0, 0)),
      ],
      out_specs=pl.BlockSpec((RB, NCLS), lambda i: (i, 0)),
      out_shape=jax.ShapeDtypeStruct((N, NCLS), jnp.float32),
      name="sage_combine",
  )(s, acc1, degt, wn1)


def kernel(features, edge_index, W_self0, W_neigh0, b_self0, b_neigh0,
           W_self1, W_neigh1, b_self1, b_neigh1):
  src = edge_index[0]
  dst = edge_index[1]
  pad = EP - E
  ar = jnp.arange(pad, dtype=jnp.int32)
  pad_src = (ar * 97) % N
  pad_dst = N + (ar % (NP - N))
  srcm = jnp.concatenate([src, pad_src]).reshape(EP // CHUNK, CHUNK)
  dstm = jnp.concatenate([dst, pad_dst]).reshape(EP // CHUNK, CHUNK)

  zfeat = jnp.zeros((NP, D_IN), jnp.float32)
  zdeg = jnp.zeros((NP,), jnp.float32)

  acc0, deg = _scatter_l0(features, srcm, dstm, zfeat, zdeg)
  degt = deg.T
  h, s = _dense(features, acc0, degt,
                W_self0, W_neigh0,
                b_self0.reshape(1, D_HID), b_neigh0.reshape(1, D_HID),
                W_self1,
                b_self1.reshape(1, NCLS), b_neigh1.reshape(1, NCLS))
  acc1 = _scatter_l1(h, srcm, dstm, zfeat)
  return _combine(s, acc1, degt, W_neigh1)

# --- scband reference (transcript-rebuilt; emitter-appended) ---
"""Pipeline reference for scband-graph-sage-17428977287557 (READ-ONLY COPY).

The authoritative reference and input builder live on the scoring server;
editing this copy changes nothing except your own understanding.
"""

import jax, jax.numpy as jnp
import numpy as np

N = 10000
E = 320000
D_IN = 128
D_HID = 128
N_CLASSES = 40


def _l2norm(x, eps=1e-12):
    # mirrors torch F.normalize(x, p=2, dim=1)
    n = jnp.sqrt(jnp.sum(x * x, axis=1, keepdims=True))
    return x / jnp.maximum(n, eps)


def setup_inputs(seed: int = 0) -> dict:
    key = jax.random.key(seed)
    ks = jax.random.split(key, 10)
    features = jax.random.normal(ks[0], (N, D_IN), dtype=jnp.float32)
    edge_index = jax.random.randint(ks[1], (2, E), 0, N, dtype=jnp.int32)
    s0 = 1.0 / np.sqrt(D_IN)
    s1 = 1.0 / np.sqrt(D_HID)
    W_self0 = jax.random.uniform(ks[2], (D_IN, D_HID), jnp.float32, -s0, s0)
    W_neigh0 = jax.random.uniform(ks[3], (D_IN, D_HID), jnp.float32, -s0, s0)
    b_self0 = jax.random.uniform(ks[4], (D_HID,), jnp.float32, -s0, s0)
    b_neigh0 = jax.random.uniform(ks[5], (D_HID,), jnp.float32, -s0, s0)
    W_self1 = jax.random.uniform(ks[6], (D_HID, N_CLASSES), jnp.float32, -s1, s1)
    W_neigh1 = jax.random.uniform(ks[7], (D_HID, N_CLASSES), jnp.float32, -s1, s1)
    b_self1 = jax.random.uniform(ks[8], (N_CLASSES,), jnp.float32, -s1, s1)
    b_neigh1 = jax.random.uniform(ks[9], (N_CLASSES,), jnp.float32, -s1, s1)
    return {
        "features": features,
        "edge_index": edge_index,
        "W_self0": W_self0, "W_neigh0": W_neigh0, "b_self0": b_self0, "b_neigh0": b_neigh0,
        "W_self1": W_self1, "W_neigh1": W_neigh1, "b_self1": b_self1, "b_neigh1": b_neigh1,
    }


def _sage_mean_layer(x, src, dst, W_self, W_neigh, b_self, b_neigh, act, norm):
    # DGL SAGEConv with aggregator_type='mean':
    # h_neigh[v] = mean_{(u->v) in E} x[u];  rst = fc_self(x) + fc_neigh(h_neigh)
    n = x.shape[0]
    deg = jnp.zeros((n,), dtype=x.dtype).at[dst].add(1.0)
    neigh_sum = jnp.zeros((n, x.shape[1]), dtype=x.dtype).at[dst].add(x[src])
    h_neigh = neigh_sum / jnp.maximum(deg, 1.0)[:, None]
    rst = x @ W_self + b_self + h_neigh @ W_neigh + b_neigh
    if act:
        rst = jax.nn.relu(rst)
    if norm:
        rst = _l2norm(rst)
    return rst


def reference(features, edge_index, W_self0, W_neigh0, b_self0, b_neigh0,
              W_self1, W_neigh1, b_self1, b_neigh1):
    src = edge_index[0]
    dst = edge_index[1]
    # layer 0: hidden layer with relu activation + norm2 (L2 normalize)
    h = _sage_mean_layer(features, src, dst, W_self0, W_neigh0, b_self0, b_neigh0,
                         act=True, norm=True)
    # final layer: no activation, no norm (feat_drop=0 in eval)
    out = _sage_mean_layer(h, src, dst, W_self1, W_neigh1, b_self1, b_neigh1,
                           act=False, norm=False)
    return out

if __name__ == "__main__":
    import jax
    _d = setup_inputs()
    print(jax.jit(kernel)(*tuple(_d.values())))

</pallas_src>

<mosaic_0001>
#map = affine_map<(d0, d1) -> (0, 0)>
#map1 = affine_map<(d0, d1) -> (0, 0, 0)>
module attributes {stable_mosaic.version = 14 : i64} {
  func.func @sage_scatter_l1(%arg0: i32, %arg1: i32, %arg2: memref<10000x128xf32, #tpu.memory_space<hbm>>, %arg3: memref<2560x128xi32, #tpu.memory_space<hbm>>, %arg4: memref<2560x128xi32, #tpu.memory_space<hbm>>, %arg5: memref<10240x128xf32, #tpu.memory_space<hbm>>, %arg6: memref<2x10240x128xf32, #tpu.memory_space<hbm>>, %arg7: memref<2x1x128xi32, #tpu.memory_space<vmem>>, %arg8: memref<80x128xi32, #tpu.memory_space<vmem>>, %arg9: memref<128x128xf32, #tpu.memory_space<vmem>>, %arg10: memref<128x128xf32, #tpu.memory_space<vmem>>, %arg11: memref<10240x128xf32, #tpu.memory_space<vmem_shared>>, %arg12: memref<!tpu.dma_semaphore, #tpu.memory_space<semaphore_mem>>, %arg13: memref<!tpu.dma_semaphore, #tpu.memory_space<semaphore_mem>>, %arg14: memref<!tpu.dma_semaphore, #tpu.memory_space<semaphore_mem>>, %arg15: memref<!tpu.dma_semaphore, #tpu.memory_space<semaphore_mem>>, %arg16: memref<!tpu.dma_semaphore, #tpu.memory_space<semaphore_mem>>) attributes {dimension_semantics = [#tpu.dimension_semantics<core_parallel>, #tpu.dimension_semantics<subcore_parallel>], iteration_bounds = array<i64: 2, 16>, scalar_prefetch = 0 : i64, scratch_operands = 10 : i64, tpu.core_type = #tpu.core_type<sc_vector_subcore>, window_params = [{transform_indices = #map}, {transform_indices = #map}, {transform_indices = #map}, {transform_indices = #map}, {transform_indices = #map1}]} {
    %mul3A = arith.constant 16 : i32
    %mul3A_0 = arith.muli %arg0, %mul3A : i32
    %add3A = arith.addi %mul3A_0, %arg1 : i32
    %mul3A_1 = arith.constant 640 : i32
    %mul3A_2 = arith.muli %arg1, %mul3A_1 : i32
    %dma_start3A = arith.constant 0 : i32
    %dma_start3A_3 = tpu.memref_slice %arg11[%mul3A_2, %dma_start3A] : memref<10240x128xf32, #tpu.memory_space<vmem_shared>> -> memref<640x128xf32, #tpu.memory_space<vmem_shared>>
    %dma_start3A_4 = arith.constant 0 : i32
    %dma_start3A_5 = tpu.memref_slice %arg5[%mul3A_2, %dma_start3A_4] : memref<10240x128xf32, #tpu.memory_space<hbm>> -> memref<640x128xf32, #tpu.memory_space<hbm>>
    tpu.enqueue_dma source(%dma_start3A_5 : memref<640x128xf32, #tpu.memory_space<hbm>>) target(%dma_start3A_3 : memref<640x128xf32, #tpu.memory_space<vmem_shared>>) target_semaphore(%arg16 : memref<!tpu.dma_semaphore, #tpu.memory_space<semaphore_mem>>)
    %mul3A_6 = arith.constant 80 : i32
    %mul3A_7 = arith.muli %add3A, %mul3A_6 : i32
    "tpu.region"() ({
      %run_scoped3A_36 = tpu.sem_alloc : memref<!tpu.dma_semaphore, #tpu.memory_space<semaphore_mem>>
      %dma_start3A_37 = arith.constant 0 : i32
      %dma_start3A_38 = tpu.memref_slice %arg4[%mul3A_7, %dma_start3A_37] : memref<2560x128xi32, #tpu.memory_space<hbm>> -> memref<80x128xi32, #tpu.memory_space<hbm>>
      %dma_start3A_39 = arith.constant 0 : i32
      %dma_start3A_40 = tpu.memref_slice %arg4[%mul3A_7, %dma_start3A_39] : memref<2560x128xi32, #tpu.memory_space<hbm>> -> memref<80x128xi32, #tpu.memory_space<hbm>>
      tpu.enqueue_dma source(%dma_start3A_40 : memref<80x128xi32, #tpu.memory_space<hbm>>) target(%arg8 : memref<80x128xi32, #tpu.memory_space<vmem>>) target_semaphore(%run_scoped3A_36 : memref<!tpu.dma_semaphore, #tpu.memory_space<semaphore_mem>>)
      %dma_wait3A_41 = arith.constant 0 : i32
      %dma_wait3A_42 = tpu.memref_slice %arg4[%mul3A_7, %dma_wait3A_41] : memref<2560x128xi32, #tpu.memory_space<hbm>> -> memref<80x128xi32, #tpu.memory_space<hbm>>
      %dma_wait3A_43 = arith.constant 0 : i32
      %dma_wait3A_44 = tpu.memref_slice %arg4[%mul3A_7, %dma_wait3A_43] : memref<2560x128xi32, #tpu.memory_space<hbm>> -> memref<80x128xi32, #tpu.memory_space<hbm>>
      tpu.wait_dma2 semaphore(%run_scoped3A_36 : memref<!tpu.dma_semaphore, #tpu.memory_space<semaphore_mem>>) src(%dma_wait3A_44 : memref<80x128xi32, #tpu.memory_space<hbm>>) dst(%arg8 : memref<80x128xi32, #tpu.memory_space<vmem>>)
      tpu.yield
    }) : () -> ()
    %run_scoped3A = arith.constant 0 : i32
    "tpu.region"() ({
      %run_scoped3A_36 = tpu.sem_alloc : memref<!tpu.dma_semaphore, #tpu.memory_space<semaphore_mem>>
      %dma_start3A_37 = arith.constant 0 : i32
      %dma_start3A_38 = arith.constant 0 : i32
      %dma_start3A_39 = tpu.memref_slice %arg7[%run_scoped3A, %dma_start3A_37, %dma_start3A_38] : memref<2x1x128xi32, #tpu.memory_space<vmem>> -> memref<1x1x128xi32, #tpu.memory_space<vmem>>
      %dma_start3A_40 = tpu.memref_squeeze %dma_start3A_39 : memref<1x1x128xi32, #tpu.memory_space<vmem>> -> memref<1x128xi32, #tpu.memory_space<vmem>>
      %dma_start3A_41 = arith.constant 0 : i32
      %dma_start3A_42 = tpu.memref_slice %arg3[%mul3A_7, %dma_start3A_41] : memref<2560x128xi32, #tpu.memory_space<hbm>> -> memref<1x128xi32, #tpu.memory_space<hbm>>
      %dma_start3A_43 = arith.constant 0 : i32
      %dma_start3A_44 = arith.constant 0 : i32
      %dma_start3A_45 = tpu.memref_slice %arg7[%run_scoped3A, %dma_start3A_43, %dma_start3A_44] : memref<2x1x128xi32, #tpu.memory_space<vmem>> -> memref<1x1x128xi32, #tpu.memory_space<vmem>>
      %dma_start3A_46 = tpu.memref_squeeze %dma_start3A_45 : memref<1x1x128xi32, #tpu.memory_space<vmem>> -> memref<1x128xi32, #tpu.memory_space<vmem>>
      %dma_start3A_47 = arith.constant 0 : i32
      %dma_start3A_48 = tpu.memref_slice %arg3[%mul3A_7, %dma_start3A_47] : memref<2560x128xi32, #tpu.memory_space<hbm>> -> memref<1x128xi32, #tpu.memory_space<hbm>>
      tpu.enqueue_dma source(%dma_start3A_48 : memref<1x128xi32, #tpu.memory_space<hbm>>) target(%dma_start3A_46 : memref<1x128xi32, #tpu.memory_space<vmem>>) target_semaphore(%run_scoped3A_36 : memref<!tpu.dma_semaphore, #tpu.memory_space<semaphore_mem>>)
      %dma_wait3A_49 = arith.constant 0 : i32
      %dma_wait3A_50 = arith.constant 0 : i32
      %dma_wait3A_51 = tpu.memref_slice %arg7[%run_scoped3A, %dma_wait3A_49, %dma_wait3A_50] : memref<2x1x128xi32, #tpu.memory_space<vmem>> -> memref<1x1x128xi32, #tpu.memory_space<vmem>>
      %dma_wait3A_52 = tpu.memref_squeeze %dma_wait3A_51 : memref<1x1x128xi32, #tpu.memory_space<vmem>> -> memref<1x128xi32, #tpu.memory_space<vmem>>
      %dma_wait3A_53 = arith.constant 0 : i32
      %dma_wait3A_54 = tpu.memref_slice %arg3[%mul3A_7, %dma_wait3A_53] : memref<2560x128xi32, #tpu.memory_space<hbm>> -> memref<1x128xi32, #tpu.memory_space<hbm>>
      %dma_wait3A_55 = arith.constant 0 : i32
      %dma_wait3A_56 = arith.constant 0 : i32
      %dma_wait3A_57 = tpu.memref_slice %arg7[%run_scoped3A, %dma_wait3A_55, %dma_wait3A_56] : memref<2x1x128xi32, #tpu.memory_space<vmem>> -> memref<1x1x128xi32, #tpu.memory_space<vmem>>
      %dma_wait3A_58 = tpu.memref_squeeze %dma_wait3A_57 : memref<1x1x128xi32, #tpu.memory_space<vmem>> -> memref<1x128xi32, #tpu.memory_space<vmem>>
      %dma_wait3A_59 = arith.constant 0 : i32
      %dma_wait3A_60 = tpu.memref_slice %arg3[%mul3A_7, %dma_wait3A_59] : memref<2560x128xi32, #tpu.memory_space<hbm>> -> memref<1x128xi32, #tpu.memory_space<hbm>>
      tpu.wait_dma2 semaphore(%run_scoped3A_36 : memref<!tpu.dma_semaphore, #tpu.memory_space<semaphore_mem>>) src(%dma_wait3A_60 : memref<1x128xi32, #tpu.memory_space<hbm>>) dst(%dma_wait3A_58 : memref<1x128xi32, #tpu.memory_space<vmem>>)
      tpu.yield
    }) : () -> ()
    %add3A_8 = arith.constant 1 : i32
    %add3A_9 = arith.addi %mul3A_7, %add3A_8 : i32
    %run_scoped3A_10 = arith.constant 1 : i32
    "tpu.region"() ({
      %run_scoped3A_36 = tpu.sem_alloc : memref<!tpu.dma_semaphore, #tpu.memory_space<semaphore_mem>>
      %dma_start3A_37 = arith.constant 0 : i32
      %dma_start3A_38 = arith.constant 0 : i32
      %dma_start3A_39 = tpu.memref_slice %arg7[%run_scoped3A_10, %dma_start3A_37, %dma_start3A_38] : memref<2x1x128xi32, #tpu.memory_space<vmem>> -> memref<1x1x128xi32, #tpu.memory_space<vmem>>
      %dma_start3A_40 = tpu.memref_squeeze %dma_start3A_39 : memref<1x1x128xi32, #tpu.memory_space<vmem>> -> memref<1x128xi32, #tpu.memory_space<vmem>>
      %dma_start3A_41 = arith.constant 0 : i32
      %dma_start3A_42 = tpu.memref_slice %arg3[%add3A_9, %dma_start3A_41] : memref<2560x128xi32, #tpu.memory_space<hbm>> -> memref<1x128xi32, #tpu.memory_space<hbm>>
      %dma_start3A_43 = arith.constant 0 : i32
      %dma_start3A_44 = arith.constant 0 : i32
      %dma_start3A_45 = tpu.memref_slice %arg7[%run_scoped3A_10, %dma_start3A_43, %dma_start3A_44] : memref<2x1x128xi32, #tpu.memory_space<vmem>> -> memref<1x1x128xi32, #tpu.memory_space<vmem>>
      %dma_start3A_46 = tpu.memref_squeeze %dma_start3A_45 : memref<1x1x128xi32, #tpu.memory_space<vmem>> -> memref<1x128xi32, #tpu.memory_space<vmem>>
      %dma_start3A_47 = arith.constant 0 : i32
      %dma_start3A_48 = tpu.memref_slice %arg3[%add3A_9, %dma_start3A_47] : memref<2560x128xi32, #tpu.memory_space<hbm>> -> memref<1x128xi32, #tpu.memory_space<hbm>>
      tpu.enqueue_dma source(%dma_start3A_48 : memref<1x128xi32, #tpu.memory_space<hbm>>) target(%dma_start3A_46 : memref<1x128xi32, #tpu.memory_space<vmem>>) target_semaphore(%run_scoped3A_36 : memref<!tpu.dma_semaphore, #tpu.memory_space<semaphore_mem>>)
      %dma_wait3A_49 = arith.constant 0 : i32
      %dma_wait3A_50 = arith.constant 0 : i32
      %dma_wait3A_51 = tpu.memref_slice %arg7[%run_scoped3A_10, %dma_wait3A_49, %dma_wait3A_50] : memref<2x1x128xi32, #tpu.memory_space<vmem>> -> memref<1x1x128xi32, #tpu.memory_space<vmem>>
      %dma_wait3A_52 = tpu.memref_squeeze %dma_wait3A_51 : memref<1x1x128xi32, #tpu.memory_space<vmem>> -> memref<1x128xi32, #tpu.memory_space<vmem>>
      %dma_wait3A_53 = arith.constant 0 : i32
      %dma_wait3A_54 = tpu.memref_slice %arg3[%add3A_9, %dma_wait3A_53] : memref<2560x128xi32, #tpu.memory_space<hbm>> -> memref<1x128xi32, #tpu.memory_space<hbm>>
      %dma_wait3A_55 = arith.constant 0 : i32
      %dma_wait3A_56 = arith.constant 0 : i32
      %dma_wait3A_57 = tpu.memref_slice %arg7[%run_scoped3A_10, %dma_wait3A_55, %dma_wait3A_56] : memref<2x1x128xi32, #tpu.memory_space<vmem>> -> memref<1x1x128xi32, #tpu.memory_space<vmem>>
      %dma_wait3A_58 = tpu.memref_squeeze %dma_wait3A_57 : memref<1x1x128xi32, #tpu.memory_space<vmem>> -> memref<1x128xi32, #tpu.memory_space<vmem>>
      %dma_wait3A_59 = arith.constant 0 : i32
      %dma_wait3A_60 = tpu.memref_slice %arg3[%add3A_9, %dma_wait3A_59] : memref<2560x128xi32, #tpu.memory_space<hbm>> -> memref<1x128xi32, #tpu.memory_space<hbm>>
      tpu.wait_dma2 semaphore(%run_scoped3A_36 : memref<!tpu.dma_semaphore, #tpu.memory_space<semaphore_mem>>) src(%dma_wait3A_60 : memref<1x128xi32, #tpu.memory_space<hbm>>) dst(%dma_wait3A_58 : memref<1x128xi32, #tpu.memory_space<vmem>>)
      tpu.yield
    }) : () -> ()
    %dma_start3A_11 = arith.constant 0 : i32
    %dma_start3A_12 = arith.constant 0 : i32
    %dma_start3A_13 = arith.constant 0 : i32
    %dma_start3A_14 = tpu.memref_slice %arg7[%dma_start3A_11, %dma_start3A_12, %dma_start3A_13] : memref<2x1x128xi32, #tpu.memory_space<vmem>> -> memref<1x1x128xi32, #tpu.memory_space<vmem>>
    %dma_start3A_15 = tpu.memref_squeeze %dma_start3A_14 : memref<1x1x128xi32, #tpu.memory_space<vmem>> -> memref<128xi32, #tpu.memory_space<vmem>>
    %dma_start3A_16 = arith.constant 0 : i32
    %dma_start3A_17 = arith.constant 0 : i32
    %dma_start3A_18 = tpu.memref_slice %arg2[%dma_start3A_16, %dma_start3A_17] : memref<10000x128xf32, #tpu.memory_space<hbm>> -> memref<10000x128xf32, #tpu.memory_space<hbm>>
    tpu.enqueue_indirect_dma source(%dma_start3A_18 : memref<10000x128xf32, #tpu.memory_space<hbm>>) target(%arg9 : memref<128x128xf32, #tpu.memory_space<vmem>>) offsets(%dma_start3A_15 : memref<128xi32, #tpu.memory_space<vmem>>) semaphore(%arg12 : memref<!tpu.dma_semaphore, #tpu.memory_space<semaphore_mem>>)
    %dma_start3A_19 = arith.constant 1 : i32
    %dma_start3A_20 = arith.constant 0 : i32
    %dma_start3A_21 = arith.constant 0 : i32
    %dma_start3A_22 = tpu.memref_slice %arg7[%dma_start3A_19, %dma_start3A_20, %dma_start3A_21] : memref<2x1x128xi32, #tpu.memory_space<vmem>> -> memref<1x1x128xi32, #tpu.memory_space<vmem>>
    %dma_start3A_23 = tpu.memref_squeeze %dma_start3A_22 : memref<1x1x128xi32, #tpu.memory_space<vmem>> -> memref<128xi32, #tpu.memory_space<vmem>>
    %dma_start3A_24 = arith.constant 0 : i32
    %dma_start3A_25 = arith.constant 0 : i32
    %dma_start3A_26 = tpu.memref_slice %arg2[%dma_start3A_24, %dma_start3A_25] : memref<10000x128xf32, #tpu.memory_space<hbm>> -> memref<10000x128xf32, #tpu.memory_space<hbm>>
    tpu.enqueue_indirect_dma source(%dma_start3A_26 : memref<10000x128xf32, #tpu.memory_space<hbm>>) target(%arg10 : memref<128x128xf32, #tpu.memory_space<vmem>>) offsets(%dma_start3A_23 : memref<128xi32, #tpu.memory_space<vmem>>) semaphore(%arg13 : memref<!tpu.dma_semaphore, #tpu.memory_space<semaphore_mem>>)
    %dma_wait3A = arith.constant 0 : i32
    %dma_wait3A_27 = tpu.memref_slice %arg11[%mul3A_2, %dma_wait3A] : memref<10240x128xf32, #tpu.memory_space<vmem_shared>> -> memref<640x128xf32, #tpu.memory_space<vmem_shared>>
    %dma_wait3A_28 = arith.constant 0 : i32
    %dma_wait3A_29 = tpu.memref_slice %arg5[%mul3A_2, %dma_wait3A_28] : memref<10240x128xf32, #tpu.memory_space<hbm>> -> memref<640x128xf32, #tpu.memory_space<hbm>>
    tpu.wait_dma2 semaphore(%arg16 : memref<!tpu.dma_semaphore, #tpu.memory_space<semaphore_mem>>) src(%dma_wait3A_29 : memref<640x128xf32, #tpu.memory_space<hbm>>) dst(%dma_wait3A_27 : memref<640x128xf32, #tpu.memory_space<vmem_shared>>)
    %barrier3A = arith.constant 0 : index
    tpu.barrier barrier_id(%barrier3A)
    %scan3A = arith.constant 0 : i32
    %scan3A_30 = arith.constant 0 : i32
    %scan3A_31 = arith.constant 40 : i32
    %scan3A_32 = arith.addi %scan3A_30, %scan3A_31 : i32
    %scan3A_33 = arith.constant 1 : i32
    scf.for %scan3A_36 = %scan3A_30 to %scan3A_32 step %scan3A_33  : i32 {
      %mul3A_37 = arith.constant 2 : i32
      %mul3A_38 = arith.muli %mul3A_37, %scan3A_36 : i32
      %dma_wait3A_39 = arith.constant 0 : i32
      %dma_wait3A_40 = arith.constant 0 : i32
      %dma_wait3A_41 = arith.constant 0 : i32
      %dma_wait3A_42 = tpu.memref_slice %arg7[%dma_wait3A_39, %dma_wait3A_40, %dma_wait3A_41] : memref<2x1x128xi32, #tpu.memory_space<vmem>> -> memref<1x1x128xi32, #tpu.memory_space<vmem>>
      %dma_wait3A_43 = tpu.memref_squeeze %dma_wait3A_42 : memref<1x1x128xi32, #tpu.memory_space<vmem>> -> memref<128xi32, #tpu.memory_space<vmem>>
      %dma_wait3A_44 = arith.constant 0 : i32
      %dma_wait3A_45 = arith.constant 0 : i32
      %dma_wait3A_46 = tpu.memref_slice %arg2[%dma_wait3A_44, %dma_wait3A_45] : memref<10000x128xf32, #tpu.memory_space<hbm>> -> memref<10000x128xf32, #tpu.memory_space<hbm>>
      tpu.wait_indirect_dma semaphore(%arg12 : memref<!tpu.dma_semaphore, #tpu.memory_space<semaphore_mem>>) src(%dma_wait3A_46 : memref<10000x128xf32, #tpu.memory_space<hbm>>) dst(%arg9 : memref<128x128xf32, #tpu.memory_space<vmem>>)
      %add3A_47 = arith.constant 2 : i32
      %add3A_48 = arith.addi %mul3A_38, %add3A_47 : i32
      %lt3A = arith.constant 80 : i32
      %lt3A_49 = arith.cmpi slt, %add3A_48, %lt3A : i32
      %convert_element_type3A = arith.extui %lt3A_49 : i1 to i32
      %cond3A = arith.constant 0 : i32
      %cond3A_50 = arith.cmpi ne, %convert_element_type3A, %cond3A : i32
      scf.if %cond3A_50 {
        %add3A_82 = arith.addi %mul3A_7, %mul3A_38 : i32
        %add3A_83 = arith.constant 2 : i32
        %add3A_84 = arith.addi %add3A_82, %add3A_83 : i32
        %dma_start3A_85 = arith.constant 0 : i32
        %dma_start3A_86 = arith.constant 0 : i32
        %dma_start3A_87 = arith.constant 0 : i32
        %dma_start3A_88 = tpu.memref_slice %arg7[%dma_start3A_85, %dma_start3A_86, %dma_start3A_87] : memref<2x1x128xi32, #tpu.memory_space<vmem>> -> memref<1x1x128xi32, #tpu.memory_space<vmem>>
        %dma_start3A_89 = tpu.memref_squeeze %dma_start3A_88 : memref<1x1x128xi32, #tpu.memory_space<vmem>> -> memref<1x128xi32, #tpu.memory_space<vmem>>
        %dma_start3A_90 = arith.constant 0 : i32
        %dma_start3A_91 = tpu.memref_slice %arg3[%add3A_84, %dma_start3A_90] : memref<2560x128xi32, #tpu.memory_space<hbm>> -> memref<1x128xi32, #tpu.memory_space<hbm>>
        %dma_start3A_92 = arith.constant 0 : i32
        %dma_start3A_93 = arith.constant 0 : i32
        %dma_start3A_94 = tpu.memref_slice %arg7[%dma_start3A_85, %dma_start3A_92, %dma_start3A_93] : memref<2x1x128xi32, #tpu.memory_space<vmem>> -> memref<1x1x128xi32, #tpu.memory_space<vmem>>
        %dma_start3A_95 = tpu.memref_squeeze %dma_start3A_94 : memref<1x1x128xi32, #tpu.memory_space<vmem>> -> memref<1x128xi32, #tpu.memory_space<vmem>>
        %dma_start3A_96 = arith.constant 0 : i32
        %dma_start3A_97 = tpu.memref_slice %arg3[%add3A_84, %dma_start3A_96] : memref<2560x128xi32, #tpu.memory_space<hbm>> -> memref<1x128xi32, #tpu.memory_space<hbm>>
        tpu.enqueue_dma source(%dma_start3A_97 : memref<1x128xi32, #tpu.memory_space<hbm>>) target(%dma_start3A_95 : memref<1x128xi32, #tpu.memory_space<vmem>>) target_semaphore(%arg14 : memref<!tpu.dma_semaphore, #tpu.memory_space<semaphore_mem>>)
      } else {
      }
      "tpu.region"() ({
        %run_scoped3A_82 = tpu.sem_alloc : memref<!tpu.dma_semaphore, #tpu.memory_space<semaphore_mem>>
        %dma_start3A_83 = arith.constant 0 : i32
        %dma_start3A_84 = tpu.memref_slice %arg8[%mul3A_38, %dma_start3A_83] : memref<80x128xi32, #tpu.memory_space<vmem>> -> memref<1x128xi32, #tpu.memory_space<vmem>>
        %dma_start3A_85 = tpu.memref_squeeze %dma_start3A_84 : memref<1x128xi32, #tpu.memory_space<vmem>> -> memref<128xi32, #tpu.memory_space<vmem>>
        %dma_start3A_86 = arith.constant 0 : i32
        %dma_start3A_87 = arith.constant 0 : i32
        %dma_start3A_88 = tpu.memref_slice %arg11[%dma_start3A_86, %dma_start3A_87] : memref<10240x128xf32, #tpu.memory_space<vmem_shared>> -> memref<10240x128xf32, #tpu.memory_space<vmem_shared>>
        tpu.enqueue_indirect_dma source(%arg9 : memref<128x128xf32, #tpu.memory_space<vmem>>) target(%dma_start3A_88 : memref<10240x128xf32, #tpu.memory_space<vmem_shared>>) offsets(%dma_start3A_85 : memref<128xi32, #tpu.memory_space<vmem>>) semaphore(%run_scoped3A_82 : memref<!tpu.dma_semaphore, #tpu.memory_space<semaphore_mem>>) {add = true}
        %dma_wait3A_89 = arith.constant 0 : i32
        %dma_wait3A_90 = tpu.memref_slice %arg8[%mul3A_38, %dma_wait3A_89] : memref<80x128xi32, #tpu.memory_space<vmem>> -> memref<1x128xi32, #tpu.memory_space<vmem>>
        %dma_wait3A_91 = tpu.memref_squeeze %dma_wait3A_90 : memref<1x128xi32, #tpu.memory_space<vmem>> -> memref<128xi32, #tpu.memory_space<vmem>>
        %dma_wait3A_92 = arith.constant 0 : i32
        %dma_wait3A_93 = arith.constant 0 : i32
        %dma_wait3A_94 = tpu.memref_slice %arg11[%dma_wait3A_92, %dma_wait3A_93] : memref<10240x128xf32, #tpu.memory_space<vmem_shared>> -> memref<10240x128xf32, #tpu.memory_space<vmem_shared>>
        tpu.wait_indirect_dma semaphore(%run_scoped3A_82 : memref<!tpu.dma_semaphore, #tpu.memory_space<semaphore_mem>>) src(%arg9 : memref<128x128xf32, #tpu.memory_space<vmem>>) dst(%dma_wait3A_94 : memref<10240x128xf32, #tpu.memory_space<vmem_shared>>)
        tpu.yield
      }) : () -> ()
      %add3A_51 = arith.constant 2 : i32
      %add3A_52 = arith.addi %mul3A_38, %add3A_51 : i32
      %lt3A_53 = arith.constant 80 : i32
      %lt3A_54 = arith.cmpi slt, %add3A_52, %lt3A_53 : i32
      %convert_element_type3A_55 = arith.extui %lt3A_54 : i1 to i32
      %cond3A_56 = arith.constant 0 : i32
      %cond3A_57 = arith.cmpi ne, %convert_element_type3A_55, %cond3A_56 : i32
      scf.if %cond3A_57 {
        %add3A_82 = arith.addi %mul3A_7, %mul3A_38 : i32
        %add3A_83 = arith.constant 2 : i32
        %add3A_84 = arith.addi %add3A_82, %add3A_83 : i32
        %dma_wait3A_85 = arith.constant 0 : i32
        %dma_wait3A_86 = arith.constant 0 : i32
        %dma_wait3A_87 = arith.constant 0 : i32
        %dma_wait3A_88 = tpu.memref_slice %arg7[%dma_wait3A_85, %dma_wait3A_86, %dma_wait3A_87] : memref<2x1x128xi32, #tpu.memory_space<vmem>> -> memref<1x1x128xi32, #tpu.memory_space<vmem>>
        %dma_wait3A_89 = tpu.memref_squeeze %dma_wait3A_88 : memref<1x1x128xi32, #tpu.memory_space<vmem>> -> memref<1x128xi32, #tpu.memory_space<vmem>>
        %dma_wait3A_90 = arith.constant 0 : i32
        %dma_wait3A_91 = tpu.memref_slice %arg3[%add3A_84, %dma_wait3A_90] : memref<2560x128xi32, #tpu.memory_space<hbm>> -> memref<1x128xi32, #tpu.memory_space<hbm>>
        %dma_wait3A_92 = arith.constant 0 : i32
        %dma_wait3A_93 = arith.constant 0 : i32
        %dma_wait3A_94 = tpu.memref_slice %arg7[%dma_wait3A_85, %dma_wait3A_92, %dma_wait3A_93] : memref<2x1x128xi32, #tpu.memory_space<vmem>> -> memref<1x1x128xi32, #tpu.memory_space<vmem>>
        %dma_wait3A_95 = tpu.memref_squeeze %dma_wait3A_94 : memref<1x1x128xi32, #tpu.memory_space<vmem>> -> memref<1x128xi32, #tpu.memory_space<vmem>>
        %dma_wait3A_96 = arith.constant 0 : i32
        %dma_wait3A_97 = tpu.memref_slice %arg3[%add3A_84, %dma_wait3A_96] : memref<2560x128xi32, #tpu.memory_space<hbm>> -> memref<1x128xi32, #tpu.memory_space<hbm>>
        tpu.wait_dma2 semaphore(%arg14 : memref<!tpu.dma_semaphore, #tpu.memory_space<semaphore_mem>>) src(%dma_wait3A_97 : memref<1x128xi32, #tpu.memory_space<hbm>>) dst(%dma_wait3A_95 : memref<1x128xi32, #tpu.memory_space<vmem>>)
        %dma_start3A_98 = arith.constant 0 : i32
        %dma_start3A_99 = arith.constant 0 : i32
        %dma_start3A_100 = arith.constant 0 : i32
        %dma_start3A_101 = tpu.memref_slice %arg7[%dma_start3A_98, %dma_start3A_99, %dma_start3A_100] : memref<2x1x128xi32, #tpu.memory_space<vmem>> -> memref<1x1x128xi32, #tpu.memory_space<vmem>>
        %dma_start3A_102 = tpu.memref_squeeze %dma_start3A_101 : memref<1x1x128xi32, #tpu.memory_space<vmem>> -> memref<128xi32, #tpu.memory_space<vmem>>
        %dma_start3A_103 = arith.constant 0 : i32
        %dma_start3A_104 = arith.constant 0 : i32
        %dma_start3A_105 = tpu.memref_slice %arg2[%dma_start3A_103, %dma_start3A_104] : memref<10000x128xf32, #tpu.memory_space<hbm>> -> memref<10000x128xf32, #tpu.memory_space<hbm>>
        tpu.enqueue_indirect_dma source(%dma_start3A_105 : memref<10000x128xf32, #tpu.memory_space<hbm>>) target(%arg9 : memref<128x128xf32, #tpu.memory_space<vmem>>) offsets(%dma_start3A_102 : memref<128xi32, #tpu.memory_space<vmem>>) semaphore(%arg12 : memref<!tpu.dma_semaphore, #tpu.memory_space<semaphore_mem>>)
      } else {
      }
      %dma_wait3A_58 = arith.constant 1 : i32
      %dma_wait3A_59 = arith.constant 0 : i32
      %dma_wait3A_60 = arith.constant 0 : i32
      %dma_wait3A_61 = tpu.memref_slice %arg7[%dma_wait3A_58, %dma_wait3A_59, %dma_wait3A_60] : memref<2x1x128xi32, #tpu.memory_space<vmem>> -> memref<1x1x128xi32, #tpu.memory_space<vmem>>
      %dma_wait3A_62 = tpu.memref_squeeze %dma_wait3A_61 : memref<1x1x128xi32, #tpu.memory_space<vmem>> -> memref<128xi32, #tpu.memory_space<vmem>>
      %dma_wait3A_63 = arith.constant 0 : i32
      %dma_wait3A_64 = arith.constant 0 : i32
      %dma_wait3A_65 = tpu.memref_slice %arg2[%dma_wait3A_63, %dma_wait3A_64] : memref<10000x128xf32, #tpu.memory_space<hbm>> -> memref<10000x128xf32, #tpu.memory_space<hbm>>
      tpu.wait_indirect_dma semaphore(%arg13 : memref<!tpu.dma_semaphore, #tpu.memory_space<semaphore_mem>>) src(%dma_wait3A_65 : memref<10000x128xf32, #tpu.memory_space<hbm>>) dst(%arg10 : memref<128x128xf32, #tpu.memory_space<vmem>>)
      %add3A_66 = arith.constant 3 : i32
      %add3A_67 = arith.addi %mul3A_38, %add3A_66 : i32
      %lt3A_68 = arith.constant 80 : i32
      %lt3A_69 = arith.cmpi slt, %add3A_67, %lt3A_68 : i32
      %convert_element_type3A_70 = arith.extui %lt3A_69 : i1 to i32
      %cond3A_71 = arith.constant 0 : i32
      %cond3A_72 = arith.cmpi ne, %convert_element_type3A_70, %cond3A_71 : i32
      scf.if %cond3A_72 {
        %add3A_82 = arith.addi %mul3A_7, %mul3A_38 : i32
        %add3A_83 = arith.constant 3 : i32
        %add3A_84 = arith.addi %add3A_82, %add3A_83 : i32
        %dma_start3A_85 = arith.constant 1 : i32
        %dma_start3A_86 = arith.constant 0 : i32
        %dma_start3A_87 = arith.constant 0 : i32
        %dma_start3A_88 = tpu.memref_slice %arg7[%dma_start3A_85, %dma_start3A_86, %dma_start3A_87] : memref<2x1x128xi32, #tpu.memory_space<vmem>> -> memref<1x1x128xi32, #tpu.memory_space<vmem>>
        %dma_start3A_89 = tpu.memref_squeeze %dma_start3A_88 : memref<1x1x128xi32, #tpu.memory_space<vmem>> -> memref<1x128xi32, #tpu.memory_space<vmem>>
        %dma_start3A_90 = arith.constant 0 : i32
        %dma_start3A_91 = tpu.memref_slice %arg3[%add3A_84, %dma_start3A_90] : memref<2560x128xi32, #tpu.memory_space<hbm>> -> memref<1x128xi32, #tpu.memory_space<hbm>>
        %dma_start3A_92 = arith.constant 0 : i32
        %dma_start3A_93 = arith.constant 0 : i32
        %dma_start3A_94 = tpu.memref_slice %arg7[%dma_start3A_85, %dma_start3A_92, %dma_start3A_93] : memref<2x1x128xi32, #tpu.memory_space<vmem>> -> memref<1x1x128xi32, #tpu.memory_space<vmem>>
        %dma_start3A_95 = tpu.memref_squeeze %dma_start3A_94 : memref<1x1x128xi32, #tpu.memory_space<vmem>> -> memref<1x128xi32, #tpu.memory_space<vmem>>
        %dma_start3A_96 = arith.constant 0 : i32
        %dma_start3A_97 = tpu.memref_slice %arg3[%add3A_84, %dma_start3A_96] : memref<2560x128xi32, #tpu.memory_space<hbm>> -> memref<1x128xi32, #tpu.memory_space<hbm>>
        tpu.enqueue_dma source(%dma_start3A_97 : memref<1x128xi32, #tpu.memory_space<hbm>>) target(%dma_start3A_95 : memref<1x128xi32, #tpu.memory_space<vmem>>) target_semaphore(%arg15 : memref<!tpu.dma_semaphore, #tpu.memory_space<semaphore_mem>>)
      } else {
      }
      %add3A_73 = arith.constant 1 : i32
      %add3A_74 = arith.addi %mul3A_38, %add3A_73 : i32
      "tpu.region"() ({
        %run_scoped3A_82 = tpu.sem_alloc : memref<!tpu.dma_semaphore, #tpu.memory_space<semaphore_mem>>
        %dma_start3A_83 = arith.constant 0 : i32
        %dma_start3A_84 = tpu.memref_slice %arg8[%add3A_74, %dma_start3A_83] : memref<80x128xi32, #tpu.memory_space<vmem>> -> memref<1x128xi32, #tpu.memory_space<vmem>>
        %dma_start3A_85 = tpu.memref_squeeze %dma_start3A_84 : memref<1x128xi32, #tpu.memory_space<vmem>> -> memref<128xi32, #tpu.memory_space<vmem>>
        %dma_start3A_86 = arith.constant 0 : i32
        %dma_start3A_87 = arith.constant 0 : i32
        %dma_start3A_88 = tpu.memref_slice %arg11[%dma_start3A_86, %dma_start3A_87] : memref<10240x128xf32, #tpu.memory_space<vmem_shared>> -> memref<10240x128xf32, #tpu.memory_space<vmem_shared>>
        tpu.enqueue_indirect_dma source(%arg10 : memref<128x128xf32, #tpu.memory_space<vmem>>) target(%dma_start3A_88 : memref<10240x128xf32, #tpu.memory_space<vmem_shared>>) offsets(%dma_start3A_85 : memref<128xi32, #tpu.memory_space<vmem>>) semaphore(%run_scoped3A_82 : memref<!tpu.dma_semaphore, #tpu.memory_space<semaphore_mem>>) {add = true}
        %dma_wait3A_89 = arith.constant 0 : i32
        %dma_wait3A_90 = tpu.memref_slice %arg8[%add3A_74, %dma_wait3A_89] : memref<80x128xi32, #tpu.memory_space<vmem>> -> memref<1x128xi32, #tpu.memory_space<vmem>>
        %dma_wait3A_91 = tpu.memref_squeeze %dma_wait3A_90 : memref<1x128xi32, #tpu.memory_space<vmem>> -> memref<128xi32, #tpu.memory_space<vmem>>
        %dma_wait3A_92 = arith.constant 0 : i32
        %dma_wait3A_93 = arith.constant 0 : i32
        %dma_wait3A_94 = tpu.memref_slice %arg11[%dma_wait3A_92, %dma_wait3A_93] : memref<10240x128xf32, #tpu.memory_space<vmem_shared>> -> memref<10240x128xf32, #tpu.memory_space<vmem_shared>>
        tpu.wait_indirect_dma semaphore(%run_scoped3A_82 : memref<!tpu.dma_semaphore, #tpu.memory_space<semaphore_mem>>) src(%arg10 : memref<128x128xf32, #tpu.memory_space<vmem>>) dst(%dma_wait3A_94 : memref<10240x128xf32, #tpu.memory_space<vmem_shared>>)
        tpu.yield
      }) : () -> ()
      %add3A_75 = arith.constant 3 : i32
      %add3A_76 = arith.addi %mul3A_38, %add3A_75 : i32
      %lt3A_77 = arith.constant 80 : i32
      %lt3A_78 = arith.cmpi slt, %add3A_76, %lt3A_77 : i32
      %convert_element_type3A_79 = arith.extui %lt3A_78 : i1 to i32
      %cond3A_80 = arith.constant 0 : i32
      %cond3A_81 = arith.cmpi ne, %convert_element_type3A_79, %cond3A_80 : i32
      scf.if %cond3A_81 {
        %add3A_82 = arith.addi %mul3A_7, %mul3A_38 : i32
        %add3A_83 = arith.constant 3 : i32
        %add3A_84 = arith.addi %add3A_82, %add3A_83 : i32
        %dma_wait3A_85 = arith.constant 1 : i32
        %dma_wait3A_86 = arith.constant 0 : i32
        %dma_wait3A_87 = arith.constant 0 : i32
        %dma_wait3A_88 = tpu.memref_slice %arg7[%dma_wait3A_85, %dma_wait3A_86, %dma_wait3A_87] : memref<2x1x128xi32, #tpu.memory_space<vmem>> -> memref<1x1x128xi32, #tpu.memory_space<vmem>>
        %dma_wait3A_89 = tpu.memref_squeeze %dma_wait3A_88 : memref<1x1x128xi32, #tpu.memory_space<vmem>> -> memref<1x128xi32, #tpu.memory_space<vmem>>
        %dma_wait3A_90 = arith.constant 0 : i32
        %dma_wait3A_91 = tpu.memref_slice %arg3[%add3A_84, %dma_wait3A_90] : memref<2560x128xi32, #tpu.memory_space<hbm>> -> memref<1x128xi32, #tpu.memory_space<hbm>>
        %dma_wait3A_92 = arith.constant 0 : i32
        %dma_wait3A_93 = arith.constant 0 : i32
        %dma_wait3A_94 = tpu.memref_slice %arg7[%dma_wait3A_85, %dma_wait3A_92, %dma_wait3A_93] : memref<2x1x128xi32, #tpu.memory_space<vmem>> -> memref<1x1x128xi32, #tpu.memory_space<vmem>>
        %dma_wait3A_95 = tpu.memref_squeeze %dma_wait3A_94 : memref<1x1x128xi32, #tpu.memory_space<vmem>> -> memref<1x128xi32, #tpu.memory_space<vmem>>
        %dma_wait3A_96 = arith.constant 0 : i32
        %dma_wait3A_97 = tpu.memref_slice %arg3[%add3A_84, %dma_wait3A_96] : memref<2560x128xi32, #tpu.memory_space<hbm>> -> memref<1x128xi32, #tpu.memory_space<hbm>>
        tpu.wait_dma2 semaphore(%arg15 : memref<!tpu.dma_semaphore, #tpu.memory_space<semaphore_mem>>) src(%dma_wait3A_97 : memref<1x128xi32, #tpu.memory_space<hbm>>) dst(%dma_wait3A_95 : memref<1x128xi32, #tpu.memory_space<vmem>>)
        %dma_start3A_98 = arith.constant 1 : i32
        %dma_start3A_99 = arith.constant 0 : i32
        %dma_start3A_100 = arith.constant 0 : i32
        %dma_start3A_101 = tpu.memref_slice %arg7[%dma_start3A_98, %dma_start3A_99, %dma_start3A_100] : memref<2x1x128xi32, #tpu.memory_space<vmem>> -> memref<1x1x128xi32, #tpu.memory_space<vmem>>
        %dma_start3A_102 = tpu.memref_squeeze %dma_start3A_101 : memref<1x1x128xi32, #tpu.memory_space<vmem>> -> memref<128xi32, #tpu.memory_space<vmem>>
        %dma_start3A_103 = arith.constant 0 : i32
        %dma_start3A_104 = arith.constant 0 : i32
        %dma_start3A_105 = tpu.memref_slice %arg2[%dma_start3A_103, %dma_start3A_104] : memref<10000x128xf32, #tpu.memory_space<hbm>> -> memref<10000x128xf32, #tpu.memory_space<hbm>>
        tpu.enqueue_indirect_dma source(%dma_start3A_105 : memref<10000x128xf32, #tpu.memory_space<hbm>>) target(%arg10 : memref<128x128xf32, #tpu.memory_space<vmem>>) offsets(%dma_start3A_102 : memref<128xi32, #tpu.memory_space<vmem>>) semaphore(%arg13 : memref<!tpu.dma_semaphore, #tpu.memory_space<semaphore_mem>>)
      } else {
      }
    }
    %scan3A_34 = arith.constant 40 : i32
    %barrier3A_35 = arith.constant 0 : index
    tpu.barrier barrier_id(%barrier3A_35)
    "tpu.region"() ({
      %run_scoped3A_36 = tpu.sem_alloc : memref<!tpu.dma_semaphore, #tpu.memory_space<semaphore_mem>>
      %dma_start3A_37 = arith.constant 0 : i32
      %dma_start3A_38 = tpu.memref_slice %arg6[%arg0, %mul3A_2, %dma_start3A_37] : memref<2x10240x128xf32, #tpu.memory_space<hbm>> -> memref<1x640x128xf32, #tpu.memory_space<hbm>>
      %dma_start3A_39 = tpu.memref_squeeze %dma_start3A_38 : memref<1x640x128xf32, #tpu.memory_space<hbm>> -> memref<640x128xf32, #tpu.memory_space<hbm>>
      %dma_start3A_40 = arith.constant 0 : i32
      %dma_start3A_41 = tpu.memref_slice %arg11[%mul3A_2, %dma_start3A_40] : memref<10240x128xf32, #tpu.memory_space<vmem_shared>> -> memref<640x128xf32, #tpu.memory_space<vmem_shared>>
      tpu.enqueue_dma source(%dma_start3A_41 : memref<640x128xf32, #tpu.memory_space<vmem_shared>>) target(%dma_start3A_39 : memref<640x128xf32, #tpu.memory_space<hbm>>) target_semaphore(%run_scoped3A_36 : memref<!tpu.dma_semaphore, #tpu.memory_space<semaphore_mem>>)
      %dma_wait3A_42 = arith.constant 0 : i32
      %dma_wait3A_43 = tpu.memref_slice %arg6[%arg0, %mul3A_2, %dma_wait3A_42] : memref<2x10240x128xf32, #tpu.memory_space<hbm>> -> memref<1x640x128xf32, #tpu.memory_space<hbm>>
      %dma_wait3A_44 = tpu.memref_squeeze %dma_wait3A_43 : memref<1x640x128xf32, #tpu.memory_space<hbm>> -> memref<640x128xf32, #tpu.memory_space<hbm>>
      %dma_wait3A_45 = arith.constant 0 : i32
      %dma_wait3A_46 = tpu.memref_slice %arg11[%mul3A_2, %dma_wait3A_45] : memref<10240x128xf32, #tpu.memory_space<vmem_shared>> -> memref<640x128xf32, #tpu.memory_space<vmem_shared>>
      tpu.wait_dma2 semaphore(%run_scoped3A_36 : memref<!tpu.dma_semaphore, #tpu.memory_space<semaphore_mem>>) src(%dma_wait3A_46 : memref<640x128xf32, #tpu.memory_space<vmem_shared>>) dst(%dma_wait3A_44 : memref<640x128xf32, #tpu.memory_space<hbm>>)
      tpu.yield
    }) : () -> ()
    return
  }
}

#map = affine_map<(d0, d1) -> (0, 0)>
#map1 = affine_map<(d0, d1) -> (0)>
#map2 = affine_map<(d0, d1) -> (0, 0, 0)>
module attributes {stable_mosaic.version = 14 : i64} {
  func.func @sage_scatter_l0(%arg0: i32, %arg1: i32, %arg2: memref<10000x128xf32, #tpu.memory_space<hbm>>, %arg3: memref<2560x128xi32, #tpu.memory_space<hbm>>, %arg4: memref<2560x128xi32, #tpu.memory_space<hbm>>, %arg5: memref<10240x128xf32, #tpu.memory_space<hbm>>, %arg6: memref<10240xf32, #tpu.memory_space<hbm>>, %arg7: memref<2x10240x128xf32, #tpu.memory_space<hbm>>, %arg8: memref<2x10240xf32, #tpu.memory_space<hbm>>, %arg9: memref<2x1x128xi32, #tpu.memory_space<vmem>>, %arg10: memref<80x128xi32, #tpu.memory_space<vmem>>, %arg11: memref<128x128xf32, #tpu.memory_space<vmem>>, %arg12: memref<128x128xf32, #tpu.memory_space<vmem>>, %arg13: memref<128xf32, #tpu.memory_space<vmem>>, %arg14: memref<10240x128xf32, #tpu.memory_space<vmem_shared>>, %arg15: memref<10240xf32, #tpu.memory_space<vmem_shared>>, %arg16: memref<!tpu.dma_semaphore, #tpu.memory_space<semaphore_mem>>, %arg17: memref<!tpu.dma_semaphore, #tpu.memory_space<semaphore_mem>>, %arg18: memref<!tpu.dma_semaphore, #tpu.memory_space<semaphore_mem>>, %arg19: memref<!tpu.dma_semaphore, #tpu.memory_space<semaphore_mem>>, %arg20: memref<!tpu.dma_semaphore, #tpu.memory_space<semaphore_mem>>) attributes {dimension_semantics = [#tpu.dimension_semantics<core_parallel>, #tpu.dimension_semantics<subcore_parallel>], iteration_bounds = array<i64: 2, 16>, scalar_prefetch = 0 : i64, scratch_operands = 12 : i64, tpu.core_type = #tpu.core_type<sc_vector_subcore>, window_params = [{transform_indices = #map}, {transform_indices = #map}, {transform_indices = #map}, {transform_indices = #map}, {transform_indices = #map1}, {transform_indices = #map2}, {transform_indices = #map}]} {
    %mul3A = arith.constant 16 : i32
    %mul3A_0 = arith.muli %arg0, %mul3A : i32
    %add3A = arith.addi %mul3A_0, %arg1 : i32
    %mul3A_1 = arith.constant 640 : i32
    %mul3A_2 = arith.muli %arg1, %mul3A_1 : i32
    %dma_start3A = arith.constant 0 : i32
    %dma_start3A_3 = tpu.memref_slice %arg14[%mul3A_2, %dma_start3A] : memref<10240x128xf32, #tpu.memory_space<vmem_shared>> -> memref<640x128xf32, #tpu.memory_space<vmem_shared>>
    %dma_start3A_4 = arith.constant 0 : i32
    %dma_start3A_5 = tpu.memref_slice %arg5[%mul3A_2, %dma_start3A_4] : memref<10240x128xf32, #tpu.memory_space<hbm>> -> memref<640x128xf32, #tpu.memory_space<hbm>>
    tpu.enqueue_dma source(%dma_start3A_5 : memref<640x128xf32, #tpu.memory_space<hbm>>) target(%dma_start3A_3 : memref<640x128xf32, #tpu.memory_space<vmem_shared>>) target_semaphore(%arg20 : memref<!tpu.dma_semaphore, #tpu.memory_space<semaphore_mem>>)
    %dma_start3A_6 = tpu.memref_slice %arg15[%mul3A_2] : memref<10240xf32, #tpu.memory_space<vmem_shared>> -> memref<640xf32, #tpu.memory_space<vmem_shared>>
    %dma_start3A_7 = tpu.memref_slice %arg6[%mul3A_2] : memref<10240xf32, #tpu.memory_space<hbm>> -> memref<640xf32, #tpu.memory_space<hbm>>
    tpu.enqueue_dma source(%dma_start3A_7 : memref<640xf32, #tpu.memory_space<hbm>>) target(%dma_start3A_6 : memref<640xf32, #tpu.memory_space<vmem_shared>>) target_semaphore(%arg20 : memref<!tpu.dma_semaphore, #tpu.memory_space<semaphore_mem>>)
    %mul3A_8 = arith.constant 80 : i32
    %mul3A_9 = arith.muli %add3A, %mul3A_8 : i32
    "tpu.region"() ({
      %run_scoped3A_102 = tpu.sem_alloc : memref<!tpu.dma_semaphore, #tpu.memory_space<semaphore_mem>>
      %dma_start3A_103 = arith.constant 0 : i32
      %dma_start3A_104 = tpu.memref_slice %arg4[%mul3A_9, %dma_start3A_103] : memref<2560x128xi32, #tpu.memory_space<hbm>> -> memref<80x128xi32, #tpu.memory_space<hbm>>
      %dma_start3A_105 = arith.constant 0 : i32
      %dma_start3A_106 = tpu.memref_slice %arg4[%mul3A_9, %dma_start3A_105] : memref<2560x128xi32, #tpu.memory_space<hbm>> -> memref<80x128xi32, #tpu.memory_space<hbm>>
      tpu.enqueue_dma source(%dma_start3A_106 : memref<80x128xi32, #tpu.memory_space<hbm>>) target(%arg10 : memref<80x128xi32, #tpu.memory_space<vmem>>) target_semaphore(%run_scoped3A_102 : memref<!tpu.dma_semaphore, #tpu.memory_space<semaphore_mem>>)
      %dma_wait3A_107 = arith.constant 0 : i32
      %dma_wait3A_108 = tpu.memref_slice %arg4[%mul3A_9, %dma_wait3A_107] : memref<2560x128xi32, #tpu.memory_space<hbm>> -> memref<80x128xi32, #tpu.memory_space<hbm>>
      %dma_wait3A_109 = arith.constant 0 : i32
      %dma_wait3A_110 = tpu.memref_slice %arg4[%mul3A_9, %dma_wait3A_109] : memref<2560x128xi32, #tpu.memory_space<hbm>> -> memref<80x128xi32, #tpu.memory_space<hbm>>
      tpu.wait_dma2 semaphore(%run_scoped3A_102 : memref<!tpu.dma_semaphore, #tpu.memory_space<semaphore_mem>>) src(%dma_wait3A_110 : memref<80x128xi32, #tpu.memory_space<hbm>>) dst(%arg10 : memref<80x128xi32, #tpu.memory_space<vmem>>)
      tpu.yield
    }) : () -> ()
    %broadcast_in_dim3A = arith.constant 1.000000e+00 : f32
    %broadcast_in_dim3A_10 = vector.broadcast %broadcast_in_dim3A : f32 to vector<16xf32>
    %swap3A = arith.constant 0 : index
    %swap3A_11 = tpu.vector_load %arg13[%swap3A] {strides = array<i32>} : memref<128xf32, #tpu.memory_space<vmem>>, vector<16xf32>,
    %swap3A_12 = vector.shape_cast %swap3A_11 : vector<16xf32> to vector<16xf32>
    %swap3A_13 = vector.shape_cast %broadcast_in_dim3A_10 : vector<16xf32> to vector<16xf32>
    tpu.vector_store %arg13[%swap3A], %swap3A_13 {strides = array<i32>} : memref<128xf32, #tpu.memory_space<vmem>>, vector<16xf32>,
    %broadcast_in_dim3A_14 = arith.constant 1.000000e+00 : f32
    %broadcast_in_dim3A_15 = vector.broadcast %broadcast_in_dim3A_14 : f32 to vector<16xf32>
    %swap3A_16 = arith.constant 16 : index
    %swap3A_17 = tpu.vector_load %arg13[%swap3A_16] {strides = array<i32>} : memref<128xf32, #tpu.memory_space<vmem>>, vector<16xf32>,
    %swap3A_18 = vector.shape_cast %swap3A_17 : vector<16xf32> to vector<16xf32>
    %swap3A_19 = vector.shape_cast %broadcast_in_dim3A_15 : vector<16xf32> to vector<16xf32>
    tpu.vector_store %arg13[%swap3A_16], %swap3A_19 {strides = array<i32>} : memref<128xf32, #tpu.memory_space<vmem>>, vector<16xf32>,
    %broadcast_in_dim3A_20 = arith.constant 1.000000e+00 : f32
    %broadcast_in_dim3A_21 = vector.broadcast %broadcast_in_dim3A_20 : f32 to vector<16xf32>
    %swap3A_22 = arith.constant 32 : index
    %swap3A_23 = tpu.vector_load %arg13[%swap3A_22] {strides = array<i32>} : memref<128xf32, #tpu.memory_space<vmem>>, vector<16xf32>,
    %swap3A_24 = vector.shape_cast %swap3A_23 : vector<16xf32> to vector<16xf32>
    %swap3A_25 = vector.shape_cast %broadcast_in_dim3A_21 : vector<16xf32> to vector<16xf32>
    tpu.vector_store %arg13[%swap3A_22], %swap3A_25 {strides = array<i32>} : memref<128xf32, #tpu.memory_space<vmem>>, vector<16xf32>,
    %broadcast_in_dim3A_26 = arith.constant 1.000000e+00 : f32
    %broadcast_in_dim3A_27 = vector.broadcast %broadcast_in_dim3A_26 : f32 to vector<16xf32>
    %swap3A_28 = arith.constant 48 : index
    %swap3A_29 = tpu.vector_load %arg13[%swap3A_28] {strides = array<i32>} : memref<128xf32, #tpu.memory_space<vmem>>, vector<16xf32>,
    %swap3A_30 = vector.shape_cast %swap3A_29 : vector<16xf32> to vector<16xf32>
    %swap3A_31 = vector.shape_cast %broadcast_in_dim3A_27 : vector<16xf32> to vector<16xf32>
    tpu.vector_store %arg13[%swap3A_28], %swap3A_31 {strides = array<i32>} : memref<128xf32, #tpu.memory_space<vmem>>, vector<16xf32>,
    %broadcast_in_dim3A_32 = arith.constant 1.000000e+00 : f32
    %broadcast_in_dim3A_33 = vector.broadcast %broadcast_in_dim3A_32 : f32 to vector<16xf32>
    %swap3A_34 = arith.constant 64 : index
    %swap3A_35 = tpu.vector_load %arg13[%swap3A_34] {strides = array<i32>} : memref<128xf32, #tpu.memory_space<vmem>>, vector<16xf32>,
    %swap3A_36 = vector.shape_cast %swap3A_35 : vector<16xf32> to vector<16xf32>
    %swap3A_37 = vector.shape_cast %broadcast_in_dim3A_33 : vector<16xf32> to vector<16xf32>
    tpu.vector_store %arg13[%swap3A_34], %swap3A_37 {strides = array<i32>} : memref<128xf32, #tpu.memory_space<vmem>>, vector<16xf32>,
    %broadcast_in_dim3A_38 = arith.constant 1.000000e+00 : f32
    %broadcast_in_dim3A_39 = vector.broadcast %broadcast_in_dim3A_38 : f32 to vector<16xf32>
    %swap3A_40 = arith.constant 80 : index
    %swap3A_41 = tpu.vector_load %arg13[%swap3A_40] {strides = array<i32>} : memref<128xf32, #tpu.memory_space<vmem>>, vector<16xf32>,
    %swap3A_42 = vector.shape_cast %swap3A_41 : vector<16xf32> to vector<16xf32>
    %swap3A_43 = vector.shape_cast %broadcast_in_dim3A_39 : vector<16xf32> to vector<16xf32>
    tpu.vector_store %arg13[%swap3A_40], %swap3A_43 {strides = array<i32>} : memref<128xf32, #tpu.memory_space<vmem>>, vector<16xf32>,
    %broadcast_in_dim3A_44 = arith.constant 1.000000e+00 : f32
    %broadcast_in_dim3A_45 = vector.broadcast %broadcast_in_dim3A_44 : f32 to vector<16xf32>
    %swap3A_46 = arith.constant 96 : index
    %swap3A_47 = tpu.vector_load %arg13[%swap3A_46] {strides = array<i32>} : memref<128xf32, #tpu.memory_space<vmem>>, vector<16xf32>,
    %swap3A_48 = vector.shape_cast %swap3A_47 : vector<16xf32> to vector<16xf32>
    %swap3A_49 = vector.shape_cast %broadcast_in_dim3A_45 : vector<16xf32> to vector<16xf32>
    tpu.vector_store %arg13[%swap3A_46], %swap3A_49 {strides = array<i32>} : memref<128xf32, #tpu.memory_space<vmem>>, vector<16xf32>,
    %broadcast_in_dim3A_50 = arith.constant 1.000000e+00 : f32
    %broadcast_in_dim3A_51 = vector.broadcast %broadcast_in_dim3A_50 : f32 to vector<16xf32>
    %swap3A_52 = arith.constant 112 : index
    %swap3A_53 = tpu.vector_load %arg13[%swap3A_52] {strides = array<i32>} : memref<128xf32, #tpu.memory_space<vmem>>, vector<16xf32>,
    %swap3A_54 = vector.shape_cast %swap3A_53 : vector<16xf32> to vector<16xf32>
    %swap3A_55 = vector.shape_cast %broadcast_in_dim3A_51 : vector<16xf32> to vector<16xf32>
    tpu.vector_store %arg13[%swap3A_52], %swap3A_55 {strides = array<i32>} : memref<128xf32, #tpu.memory_space<vmem>>, vector<16xf32>,
    %run_scoped3A = arith.constant 0 : i32
    "tpu.region"() ({
      %run_scoped3A_102 = tpu.sem_alloc : memref<!tpu.dma_semaphore, #tpu.memory_space<semaphore_mem>>
      %dma_start3A_103 = arith.constant 0 : i32
      %dma_start3A_104 = arith.constant 0 : i32
      %dma_start3A_105 = tpu.memref_slice %arg9[%run_scoped3A, %dma_start3A_103, %dma_start3A_104] : memref<2x1x128xi32, #tpu.memory_space<vmem>> -> memref<1x1x128xi32, #tpu.memory_space<vmem>>
      %dma_start3A_106 = tpu.memref_squeeze %dma_start3A_105 : memref<1x1x128xi32, #tpu.memory_space<vmem>> -> memref<1x128xi32, #tpu.memory_space<vmem>>
      %dma_start3A_107 = arith.constant 0 : i32
      %dma_start3A_108 = tpu.memref_slice %arg3[%mul3A_9, %dma_start3A_107] : memref<2560x128xi32, #tpu.memory_space<hbm>> -> memref<1x128xi32, #tpu.memory_space<hbm>>
      %dma_start3A_109 = arith.constant 0 : i32
      %dma_start3A_110 = arith.constant 0 : i32
      %dma_start3A_111 = tpu.memref_slice %arg9[%run_scoped3A, %dma_start3A_109, %dma_start3A_110] : memref<2x1x128xi32, #tpu.memory_space<vmem>> -> memref<1x1x128xi32, #tpu.memory_space<vmem>>
      %dma_start3A_112 = tpu.memref_squeeze %dma_start3A_111 : memref<1x1x128xi32, #tpu.memory_space<vmem>> -> memref<1x128xi32, #tpu.memory_space<vmem>>
      %dma_start3A_113 = arith.constant 0 : i32
      %dma_start3A_114 = tpu.memref_slice %arg3[%mul3A_9, %dma_start3A_113] : memref<2560x128xi32, #tpu.memory_space<hbm>> -> memref<1x128xi32, #tpu.memory_space<hbm>>
      tpu.enqueue_dma source(%dma_start3A_114 : memref<1x128xi32, #tpu.memory_space<hbm>>) target(%dma_start3A_112 : memref<1x128xi32, #tpu.memory_space<vmem>>) target_semaphore(%run_scoped3A_102 : memref<!tpu.dma_semaphore, #tpu.memory_space<semaphore_mem>>)
      %dma_wait3A_115 = arith.constant 0 : i32
      %dma_wait3A_116 = arith.constant 0 : i32
      %dma_wait3A_117 = tpu.memref_slice %arg9[%run_scoped3A, %dma_wait3A_115, %dma_wait3A_116] : memref<2x1x128xi32, #tpu.memory_space<vmem>> -> memref<1x1x128xi32, #tpu.memory_space<vmem>>
      %dma_wait3A_118 = tpu.memref_squeeze %dma_wait3A_117 : memref<1x1x128xi32, #tpu.memory_space<vmem>> -> memref<1x128xi32, #tpu.memory_space<vmem>>
      %dma_wait3A_119 = arith.constant 0 : i32
      %dma_wait3A_120 = tpu.memref_slice %arg3[%mul3A_9, %dma_wait3A_119] : memref<2560x128xi32, #tpu.memory_space<hbm>> -> memref<1x128xi32, #tpu.memory_space<hbm>>
      %dma_wait3A_121 = arith.constant 0 : i32
      %dma_wait3A_122 = arith.constant 0 : i32
      %dma_wait3A_123 = tpu.memref_slice %arg9[%run_scoped3A, %dma_wait3A_121, %dma_wait3A_122] : memref<2x1x128xi32, #tpu.memory_space<vmem>> -> memref<1x1x128xi32, #tpu.memory_space<vmem>>
      %dma_wait3A_124 = tpu.memref_squeeze %dma_wait3A_123 : memref<1x1x128xi32, #tpu.memory_space<vmem>> -> memref<1x128xi32, #tpu.memory_space<vmem>>
      %dma_wait3A_125 = arith.constant 0 : i32
      %dma_wait3A_126 = tpu.memref_slice %arg3[%mul3A_9, %dma_wait3A_125] : memref<2560x128xi32, #tpu.memory_space<hbm>> -> memref<1x128xi32, #tpu.memory_space<hbm>>
      tpu.wait_dma2 semaphore(%run_scoped3A_102 : memref<!tpu.dma_semaphore, #tpu.memory_space<semaphore_mem>>) src(%dma_wait3A_126 : memref<1x128xi32, #tpu.memory_space<hbm>>) dst(%dma_wait3A_124 : memref<1x128xi32, #tpu.memory_space<vmem>>)
      tpu.yield
    }) : () -> ()
    %add3A_56 = arith.constant 1 : i32
    %add3A_57 = arith.addi %mul3A_9, %add3A_56 : i32
    %run_scoped3A_58 = arith.constant 1 : i32
    "tpu.region"() ({
      %run_scoped3A_102 = tpu.sem_alloc : memref<!tpu.dma_semaphore, #tpu.memory_space<semaphore_mem>>
      %dma_start3A_103 = arith.constant 0 : i32
      %dma_start3A_104 = arith.constant 0 : i32
      %dma_start3A_105 = tpu.memref_slice %arg9[%run_scoped3A_58, %dma_start3A_103, %dma_start3A_104] : memref<2x1x128xi32, #tpu.memory_space<vmem>> -> memref<1x1x128xi32, #tpu.memory_space<vmem>>
      %dma_start3A_106 = tpu.memref_squeeze %dma_start3A_105 : memref<1x1x128xi32, #tpu.memory_space<vmem>> -> memref<1x128xi32, #tpu.memory_space<vmem>>
      %dma_start3A_107 = arith.constant 0 : i32
      %dma_start3A_108 = tpu.memref_slice %arg3[%add3A_57, %dma_start3A_107] : memref<2560x128xi32, #tpu.memory_space<hbm>> -> memref<1x128xi32, #tpu.memory_space<hbm>>
      %dma_start3A_109 = arith.constant 0 : i32
      %dma_start3A_110 = arith.constant 0 : i32
      %dma_start3A_111 = tpu.memref_slice %arg9[%run_scoped3A_58, %dma_start3A_109, %dma_start3A_110] : memref<2x1x128xi32, #tpu.memory_space<vmem>> -> memref<1x1x128xi32, #tpu.memory_space<vmem>>
      %dma_start3A_112 = tpu.memref_squeeze %dma_start3A_111 : memref<1x1x128xi32, #tpu.memory_space<vmem>> -> memref<1x128xi32, #tpu.memory_space<vmem>>
      %dma_start3A_113 = arith.constant 0 : i32
      %dma_start3A_114 = tpu.memref_slice %arg3[%add3A_57, %dma_start3A_113] : memref<2560x128xi32, #tpu.memory_space<hbm>> -> memref<1x128xi32, #tpu.memory_space<hbm>>
      tpu.enqueue_dma source(%dma_start3A_114 : memref<1x128xi32, #tpu.memory_space<hbm>>) target(%dma_start3A_112 : memref<1x128xi32, #tpu.memory_space<vmem>>) target_semaphore(%run_scoped3A_102 : memref<!tpu.dma_semaphore, #tpu.memory_space<semaphore_mem>>)
      %dma_wait3A_115 = arith.constant 0 : i32
      %dma_wait3A_116 = arith.constant 0 : i32
      %dma_wait3A_117 = tpu.memref_slice %arg9[%run_scoped3A_58, %dma_wait3A_115, %dma_wait3A_116] : memref<2x1x128xi32, #tpu.memory_space<vmem>> -> memref<1x1x128xi32, #tpu.memory_space<vmem>>
      %dma_wait3A_118 = tpu.memref_squeeze %dma_wait3A_117 : memref<1x1x128xi32, #tpu.memory_space<vmem>> -> memref<1x128xi32, #tpu.memory_space<vmem>>
      %dma_wait3A_119 = arith.constant 0 : i32
      %dma_wait3A_120 = tpu.memref_slice %arg3[%add3A_57, %dma_wait3A_119] : memref<2560x128xi32, #tpu.memory_space<hbm>> -> memref<1x128xi32, #tpu.memory_space<hbm>>
      %dma_wait3A_121 = arith.constant 0 : i32
      %dma_wait3A_122 = arith.constant 0 : i32
      %dma_wait3A_123 = tpu.memref_slice %arg9[%run_scoped3A_58, %dma_wait3A_121, %dma_wait3A_122] : memref<2x1x128xi32, #tpu.memory_space<vmem>> -> memref<1x1x128xi32, #tpu.memory_space<vmem>>
      %dma_wait3A_124 = tpu.memref_squeeze %dma_wait3A_123 : memref<1x1x128xi32, #tpu.memory_space<vmem>> -> memref<1x128xi32, #tpu.memory_space<vmem>>
      %dma_wait3A_125 = arith.constant 0 : i32
      %dma_wait3A_126 = tpu.memref_slice %arg3[%add3A_57, %dma_wait3A_125] : memref<2560x128xi32, #tpu.memory_space<hbm>> -> memref<1x128xi32, #tpu.memory_space<hbm>>
      tpu.wait_dma2 semaphore(%run_scoped3A_102 : memref<!tpu.dma_semaphore, #tpu.memory_space<semaphore_mem>>) src(%dma_wait3A_126 : memref<1x128xi32, #tpu.memory_space<hbm>>) dst(%dma_wait3A_124 : memref<1x128xi32, #tpu.memory_space<vmem>>)
      tpu.yield
    }) : () -> ()
    %dma_start3A_59 = arith.constant 0 : i32
    %dma_start3A_60 = arith.constant 0 : i32
    %dma_start3A_61 = arith.constant 0 : i32
    %dma_start3A_62 = tpu.memref_slice %arg9[%dma_start3A_59, %dma_start3A_60, %dma_start3A_61] : memref<2x1x128xi32, #tpu.memory_space<vmem>> -> memref<1x1x128xi32, #tpu.memory_space<vmem>>
    %dma_start3A_63 = tpu.memref_squeeze %dma_start3A_62 : memref<1x1x128xi32, #tpu.memory_space<vmem>> -> memref<128xi32, #tpu.memory_space<vmem>>
    %dma_start3A_64 = arith.constant 0 : i32
    %dma_start3A_65 = arith.constant 0 : i32
    %dma_start3A_66 = tpu.memref_slice %arg2[%dma_start3A_64, %dma_start3A_65] : memref<10000x128xf32, #tpu.memory_space<hbm>> -> memref<10000x128xf32, #tpu.memory_space<hbm>>
    tpu.enqueue_indirect_dma source(%dma_start3A_66 : memref<10000x128xf32, #tpu.memory_space<hbm>>) target(%arg11 : memref<128x128xf32, #tpu.memory_space<vmem>>) offsets(%dma_start3A_63 : memref<128xi32, #tpu.memory_space<vmem>>) semaphore(%arg16 : memref<!tpu.dma_semaphore, #tpu.memory_space<semaphore_mem>>)
    %dma_start3A_67 = arith.constant 1 : i32
    %dma_start3A_68 = arith.constant 0 : i32
    %dma_start3A_69 = arith.constant 0 : i32
    %dma_start3A_70 = tpu.memref_slice %arg9[%dma_start3A_67, %dma_start3A_68, %dma_start3A_69] : memref<2x1x128xi32, #tpu.memory_space<vmem>> -> memref<1x1x128xi32, #tpu.memory_space<vmem>>
    %dma_start3A_71 = tpu.memref_squeeze %dma_start3A_70 : memref<1x1x128xi32, #tpu.memory_space<vmem>> -> memref<128xi32, #tpu.memory_space<vmem>>
    %dma_start3A_72 = arith.constant 0 : i32
    %dma_start3A_73 = arith.constant 0 : i32
    %dma_start3A_74 = tpu.memref_slice %arg2[%dma_start3A_72, %dma_start3A_73] : memref<10000x128xf32, #tpu.memory_space<hbm>> -> memref<10000x128xf32, #tpu.memory_space<hbm>>
    tpu.enqueue_indirect_dma source(%dma_start3A_74 : memref<10000x128xf32, #tpu.memory_space<hbm>>) target(%arg12 : memref<128x128xf32, #tpu.memory_space<vmem>>) offsets(%dma_start3A_71 : memref<128xi32, #tpu.memory_space<vmem>>) semaphore(%arg17 : memref<!tpu.dma_semaphore, #tpu.memory_space<semaphore_mem>>)
    %dma_wait3A = arith.constant 0 : i32
    %dma_wait3A_75 = tpu.memref_slice %arg14[%mul3A_2, %dma_wait3A] : memref<10240x128xf32, #tpu.memory_space<vmem_shared>> -> memref<640x128xf32, #tpu.memory_space<vmem_shared>>
    %dma_wait3A_76 = arith.constant 0 : i32
    %dma_wait3A_77 = tpu.memref_slice %arg5[%mul3A_2, %dma_wait3A_76] : memref<10240x128xf32, #tpu.memory_space<hbm>> -> memref<640x128xf32, #tpu.memory_space<hbm>>
    tpu.wait_dma2 semaphore(%arg20 : memref<!tpu.dma_semaphore, #tpu.memory_space<semaphore_mem>>) src(%dma_wait3A_77 : memref<640x128xf32, #tpu.memory_space<hbm>>) dst(%dma_wait3A_75 : memref<640x128xf32, #tpu.memory_space<vmem_shared>>)
    %dma_wait3A_78 = tpu.memref_slice %arg15[%mul3A_2] : memref<10240xf32, #tpu.memory_space<vmem_shared>> -> memref<640xf32, #tpu.memory_space<vmem_shared>>
    %dma_wait3A_79 = tpu.memref_slice %arg6[%mul3A_2] : memref<10240xf32, #tpu.memory_space<hbm>> -> memref<640xf32, #tpu.memory_space<hbm>>
    tpu.wait_dma2 semaphore(%arg20 : memref<!tpu.dma_semaphore, #tpu.memory_space<semaphore_mem>>) src(%dma_wait3A_79 : memref<640xf32, #tpu.memory_space<hbm>>) dst(%dma_wait3A_78 : memref<640xf32, #tpu.memory_space<vmem_shared>>)
    %barrier3A = arith.constant 0 : index
    tpu.barrier barrier_id(%barrier3A)
    %scan3A = arith.constant 0 : i32
    %scan3A_80 = arith.constant 0 : i32
    %scan3A_81 = arith.constant 40 : i32
    %scan3A_82 = arith.addi %scan3A_80, %scan3A_81 : i32
    %scan3A_83 = arith.constant 1 : i32
    scf.for %scan3A_102 = %scan3A_80 to %scan3A_82 step %scan3A_83  : i32 {
      %mul3A_103 = arith.constant 2 : i32
      %mul3A_104 = arith.muli %mul3A_103, %scan3A_102 : i32
      %dma_wait3A_105 = arith.constant 0 : i32
      %dma_wait3A_106 = arith.constant 0 : i32
      %dma_wait3A_107 = arith.constant 0 : i32
      %dma_wait3A_108 = tpu.memref_slice %arg9[%dma_wait3A_105, %dma_wait3A_106, %dma_wait3A_107] : memref<2x1x128xi32, #tpu.memory_space<vmem>> -> memref<1x1x128xi32, #tpu.memory_space<vmem>>
      %dma_wait3A_109 = tpu.memref_squeeze %dma_wait3A_108 : memref<1x1x128xi32, #tpu.memory_space<vmem>> -> memref<128xi32, #tpu.memory_space<vmem>>
      %dma_wait3A_110 = arith.constant 0 : i32
      %dma_wait3A_111 = arith.constant 0 : i32
      %dma_wait3A_112 = tpu.memref_slice %arg2[%dma_wait3A_110, %dma_wait3A_111] : memref<10000x128xf32, #tpu.memory_space<hbm>> -> memref<10000x128xf32, #tpu.memory_space<hbm>>
      tpu.wait_indirect_dma semaphore(%arg16 : memref<!tpu.dma_semaphore, #tpu.memory_space<semaphore_mem>>) src(%dma_wait3A_112 : memref<10000x128xf32, #tpu.memory_space<hbm>>) dst(%arg11 : memref<128x128xf32, #tpu.memory_space<vmem>>)
      %add3A_113 = arith.constant 2 : i32
      %add3A_114 = arith.addi %mul3A_104, %add3A_113 : i32
      %lt3A = arith.constant 80 : i32
      %lt3A_115 = arith.cmpi slt, %add3A_114, %lt3A : i32
      %convert_element_type3A = arith.extui %lt3A_115 : i1 to i32
      %cond3A = arith.constant 0 : i32
      %cond3A_116 = arith.cmpi ne, %convert_element_type3A, %cond3A : i32
      scf.if %cond3A_116 {
        %add3A_150 = arith.addi %mul3A_9, %mul3A_104 : i32
        %add3A_151 = arith.constant 2 : i32
        %add3A_152 = arith.addi %add3A_150, %add3A_151 : i32
        %dma_start3A_153 = arith.constant 0 : i32
        %dma_start3A_154 = arith.constant 0 : i32
        %dma_start3A_155 = arith.constant 0 : i32
        %dma_start3A_156 = tpu.memref_slice %arg9[%dma_start3A_153, %dma_start3A_154, %dma_start3A_155] : memref<2x1x128xi32, #tpu.memory_space<vmem>> -> memref<1x1x128xi32, #tpu.memory_space<vmem>>
        %dma_start3A_157 = tpu.memref_squeeze %dma_start3A_156 : memref<1x1x128xi32, #tpu.memory_space<vmem>> -> memref<1x128xi32, #tpu.memory_space<vmem>>
        %dma_start3A_158 = arith.constant 0 : i32
        %dma_start3A_159 = tpu.memref_slice %arg3[%add3A_152, %dma_start3A_158] : memref<2560x128xi32, #tpu.memory_space<hbm>> -> memref<1x128xi32, #tpu.memory_space<hbm>>
        %dma_start3A_160 = arith.constant 0 : i32
        %dma_start3A_161 = arith.constant 0 : i32
        %dma_start3A_162 = tpu.memref_slice %arg9[%dma_start3A_153, %dma_start3A_160, %dma_start3A_161] : memref<2x1x128xi32, #tpu.memory_space<vmem>> -> memref<1x1x128xi32, #tpu.memory_space<vmem>>
        %dma_start3A_163 = tpu.memref_squeeze %dma_start3A_162 : memref<1x1x128xi32, #tpu.memory_space<vmem>> -> memref<1x128xi32, #tpu.memory_space<vmem>>
        %dma_start3A_164 = arith.constant 0 : i32
        %dma_start3A_165 = tpu.memref_slice %arg3[%add3A_152, %dma_start3A_164] : memref<2560x128xi32, #tpu.memory_space<hbm>> -> memref<1x128xi32, #tpu.memory_space<hbm>>
        tpu.enqueue_dma source(%dma_start3A_165 : memref<1x128xi32, #tpu.memory_space<hbm>>) target(%dma_start3A_163 : memref<1x128xi32, #tpu.memory_space<vmem>>) target_semaphore(%arg18 : memref<!tpu.dma_semaphore, #tpu.memory_space<semaphore_mem>>)
      } else {
      }
      "tpu.region"() ({
        %run_scoped3A_150 = tpu.sem_alloc : memref<!tpu.dma_semaphore, #tpu.memory_space<semaphore_mem>>
        %dma_start3A_151 = arith.constant 0 : i32
        %dma_start3A_152 = tpu.memref_slice %arg10[%mul3A_104, %dma_start3A_151] : memref<80x128xi32, #tpu.memory_space<vmem>> -> memref<1x128xi32, #tpu.memory_space<vmem>>
        %dma_start3A_153 = tpu.memref_squeeze %dma_start3A_152 : memref<1x128xi32, #tpu.memory_space<vmem>> -> memref<128xi32, #tpu.memory_space<vmem>>
        %dma_start3A_154 = arith.constant 0 : i32
        %dma_start3A_155 = tpu.memref_slice %arg15[%dma_start3A_154] : memref<10240xf32, #tpu.memory_space<vmem_shared>> -> memref<10240xf32, #tpu.memory_space<vmem_shared>>
        tpu.enqueue_indirect_dma source(%arg13 : memref<128xf32, #tpu.memory_space<vmem>>) target(%dma_start3A_155 : memref<10240xf32, #tpu.memory_space<vmem_shared>>) offsets(%dma_start3A_153 : memref<128xi32, #tpu.memory_space<vmem>>) semaphore(%run_scoped3A_150 : memref<!tpu.dma_semaphore, #tpu.memory_space<semaphore_mem>>) {add = true}
        %dma_wait3A_156 = arith.constant 0 : i32
        %dma_wait3A_157 = tpu.memref_slice %arg10[%mul3A_104, %dma_wait3A_156] : memref<80x128xi32, #tpu.memory_space<vmem>> -> memref<1x128xi32, #tpu.memory_space<vmem>>
        %dma_wait3A_158 = tpu.memref_squeeze %dma_wait3A_157 : memref<1x128xi32, #tpu.memory_space<vmem>> -> memref<128xi32, #tpu.memory_space<vmem>>
        %dma_wait3A_159 = arith.constant 0 : i32
        %dma_wait3A_160 = tpu.memref_slice %arg15[%dma_wait3A_159] : memref<10240xf32, #tpu.memory_space<vmem_shared>> -> memref<10240xf32, #tpu.memory_space<vmem_shared>>
        tpu.wait_indirect_dma semaphore(%run_scoped3A_150 : memref<!tpu.dma_semaphore, #tpu.memory_space<semaphore_mem>>) src(%arg13 : memref<128xf32, #tpu.memory_space<vmem>>) dst(%dma_wait3A_160 : memref<10240xf32, #tpu.memory_space<vmem_shared>>)
        tpu.yield
      }) : () -> ()
      "tpu.region"() ({
        %run_scoped3A_150 = tpu.sem_alloc : memref<!tpu.dma_semaphore, #tpu.memory_space<semaphore_mem>>
        %dma_start3A_151 = arith.constant 0 : i32
        %dma_start3A_152 = tpu.memref_slice %arg10[%mul3A_104, %dma_start3A_151] : memref<80x128xi32, #tpu.memory_space<vmem>> -> memref<1x128xi32, #tpu.memory_space<vmem>>
        %dma_start3A_153 = tpu.memref_squeeze %dma_start3A_152 : memref<1x128xi32, #tpu.memory_space<vmem>> -> memref<128xi32, #tpu.memory_space<vmem>>
        %dma_start3A_154 = arith.constant 0 : i32
        %dma_start3A_155 = arith.constant 0 : i32
        %dma_start3A_156 = tpu.memref_slice %arg14[%dma_start3A_154, %dma_start3A_155] : memref<10240x128xf32, #tpu.memory_space<vmem_shared>> -> memref<10240x128xf32, #tpu.memory_space<vmem_shared>>
        tpu.enqueue_indirect_dma source(%arg11 : memref<128x128xf32, #tpu.memory_space<vmem>>) target(%dma_start3A_156 : memref<10240x128xf32, #tpu.memory_space<vmem_shared>>) offsets(%dma_start3A_153 : memref<128xi32, #tpu.memory_space<vmem>>) semaphore(%run_scoped3A_150 : memref<!tpu.dma_semaphore, #tpu.memory_space<semaphore_mem>>) {add = true}
        %dma_wait3A_157 = arith.constant 0 : i32
        %dma_wait3A_158 = tpu.memref_slice %arg10[%mul3A_104, %dma_wait3A_157] : memref<80x128xi32, #tpu.memory_space<vmem>> -> memref<1x128xi32, #tpu.memory_space<vmem>>
        %dma_wait3A_159 = tpu.memref_squeeze %dma_wait3A_158 : memref<1x128xi32, #tpu.memory_space<vmem>> -> memref<128xi32, #tpu.memory_space<vmem>>
        %dma_wait3A_160 = arith.constant 0 : i32
        %dma_wait3A_161 = arith.constant 0 : i32
        %dma_wait3A_162 = tpu.memref_slice %arg14[%dma_wait3A_160, %dma_wait3A_161] : memref<10240x128xf32, #tpu.memory_space<vmem_shared>> -> memref<10240x128xf32, #tpu.memory_space<vmem_shared>>
        tpu.wait_indirect_dma semaphore(%run_scoped3A_150 : memref<!tpu.dma_semaphore, #tpu.memory_space<semaphore_mem>>) src(%arg11 : memref<128x128xf32, #tpu.memory_space<vmem>>) dst(%dma_wait3A_162 : memref<10240x128xf32, #tpu.memory_space<vmem_shared>>)
        tpu.yield
      }) : () -> ()
      %add3A_117 = arith.constant 2 : i32
      %add3A_118 = arith.addi %mul3A_104, %add3A_117 : i32
      %lt3A_119 = arith.constant 80 : i32
      %lt3A_120 = arith.cmpi slt, %add3A_118, %lt3A_119 : i32
      %convert_element_type3A_121 = arith.extui %lt3A_120 : i1 to i32
      %cond3A_122 = arith.constant 0 : i32
      %cond3A_123 = arith.cmpi ne, %convert_element_type3A_121, %cond3A_122 : i32
      scf.if %cond3A_123 {
        %add3A_150 = arith.addi %mul3A_9, %mul3A_104 : i32
        %add3A_151 = arith.constant 2 : i32
        %add3A_152 = arith.addi %add3A_150, %add3A_151 : i32
        %dma_wait3A_153 = arith.constant 0 : i32
        %dma_wait3A_154 = arith.constant 0 : i32
        %dma_wait3A_155 = arith.constant 0 : i32
        %dma_wait3A_156 = tpu.memref_slice %arg9[%dma_wait3A_153, %dma_wait3A_154, %dma_wait3A_155] : memref<2x1x128xi32, #tpu.memory_space<vmem>> -> memref<1x1x128xi32, #tpu.memory_space<vmem>>
        %dma_wait3A_157 = tpu.memref_squeeze %dma_wait3A_156 : memref<1x1x128xi32, #tpu.memory_space<vmem>> -> memref<1x128xi32, #tpu.memory_space<vmem>>
        %dma_wait3A_158 = arith.constant 0 : i32
        %dma_wait3A_159 = tpu.memref_slice %arg3[%add3A_152, %dma_wait3A_158] : memref<2560x128xi32, #tpu.memory_space<hbm>> -> memref<1x128xi32, #tpu.memory_space<hbm>>
        %dma_wait3A_160 = arith.constant 0 : i32
        %dma_wait3A_161 = arith.constant 0 : i32
        %dma_wait3A_162 = tpu.memref_slice %arg9[%dma_wait3A_153, %dma_wait3A_160, %dma_wait3A_161] : memref<2x1x128xi32, #tpu.memory_space<vmem>> -> memref<1x1x128xi32, #tpu.memory_space<vmem>>
        %dma_wait3A_163 = tpu.memref_squeeze %dma_wait3A_162 : memref<1x1x128xi32, #tpu.memory_space<vmem>> -> memref<1x128xi32, #tpu.memory_space<vmem>>
        %dma_wait3A_164 = arith.constant 0 : i32
        %dma_wait3A_165 = tpu.memref_slice %arg3[%add3A_152, %dma_wait3A_164] : memref<2560x128xi32, #tpu.memory_space<hbm>> -> memref<1x128xi32, #tpu.memory_space<hbm>>
        tpu.wait_dma2 semaphore(%arg18 : memref<!tpu.dma_semaphore, #tpu.memory_space<semaphore_mem>>) src(%dma_wait3A_165 : memref<1x128xi32, #tpu.memory_space<hbm>>) dst(%dma_wait3A_163 : memref<1x128xi32, #tpu.memory_space<vmem>>)
        %dma_start3A_166 = arith.constant 0 : i32
        %dma_start3A_167 = arith.constant 0 : i32
        %dma_start3A_168 = arith.constant 0 : i32
        %dma_start3A_169 = tpu.memref_slice %arg9[%dma_start3A_166, %dma_start3A_167, %dma_start3A_168] : memref<2x1x128xi32, #tpu.memory_space<vmem>> -> memref<1x1x128xi32, #tpu.memory_space<vmem>>
        %dma_start3A_170 = tpu.memref_squeeze %dma_start3A_169 : memref<1x1x128xi32, #tpu.memory_space<vmem>> -> memref<128xi32, #tpu.memory_space<vmem>>
        %dma_start3A_171 = arith.constant 0 : i32
        %dma_start3A_172 = arith.constant 0 : i32
        %dma_start3A_173 = tpu.memref_slice %arg2[%dma_start3A_171, %dma_start3A_172] : memref<10000x128xf32, #tpu.memory_space<hbm>> -> memref<10000x128xf32, #tpu.memory_space<hbm>>
        tpu.enqueue_indirect_dma source(%dma_start3A_173 : memref<10000x128xf32, #tpu.memory_space<hbm>>) target(%arg11 : memref<128x128xf32, #tpu.memory_space<vmem>>) offsets(%dma_start3A_170 : memref<128xi32, #tpu.memory_space<vmem>>) semaphore(%arg16 : memref<!tpu.dma_semaphore, #tpu.memory_space<semaphore_mem>>)
      } else {
      }
      %dma_wait3A_124 = arith.constant 1 : i32
      %dma_wait3A_125 = arith.constant 0 : i32
      %dma_wait3A_126 = arith.constant 0 : i32
      %dma_wait3A_127 = tpu.memref_slice %arg9[%dma_wait3A_124, %dma_wait3A_125, %dma_wait3A_126] : memref<2x1x128xi32, #tpu.memory_space<vmem>> -> memref<1x1x128xi32, #tpu.memory_space<vmem>>
      %dma_wait3A_128 = tpu.memref_squeeze %dma_wait3A_127 : memref<1x1x128xi32, #tpu.memory_space<vmem>> -> memref<128xi32, #tpu.memory_space<vmem>>
      %dma_wait3A_129 = arith.constant 0 : i32
      %dma_wait3A_130 = arith.constant 0 : i32
      %dma_wait3A_131 = tpu.memref_slice %arg2[%dma_wait3A_129, %dma_wait3A_130] : memref<10000x128xf32, #tpu.memory_space<hbm>> -> memref<10000x128xf32, #tpu.memory_space<hbm>>
      tpu.wait_indirect_dma semaphore(%arg17 : memref<!tpu.dma_semaphore, #tpu.memory_space<semaphore_mem>>) src(%dma_wait3A_131 : memref<10000x128xf32, #tpu.memory_space<hbm>>) dst(%arg12 : memref<128x128xf32, #tpu.memory_space<vmem>>)
      %add3A_132 = arith.constant 3 : i32
      %add3A_133 = arith.addi %mul3A_104, %add3A_132 : i32
      %lt3A_134 = arith.constant 80 : i32
      %lt3A_135 = arith.cmpi slt, %add3A_133, %lt3A_134 : i32
      %convert_element_type3A_136 = arith.extui %lt3A_135 : i1 to i32
      %cond3A_137 = arith.constant 0 : i32
      %cond3A_138 = arith.cmpi ne, %convert_element_type3A_136, %cond3A_137 : i32
      scf.if %cond3A_138 {
        %add3A_150 = arith.addi %mul3A_9, %mul3A_104 : i32
        %add3A_151 = arith.constant 3 : i32
        %add3A_152 = arith.addi %add3A_150, %add3A_151 : i32
        %dma_start3A_153 = arith.constant 1 : i32
        %dma_start3A_154 = arith.constant 0 : i32
        %dma_start3A_155 = arith.constant 0 : i32
        %dma_start3A_156 = tpu.memref_slice %arg9[%dma_start3A_153, %dma_start3A_154, %dma_start3A_155] : memref<2x1x128xi32, #tpu.memory_space<vmem>> -> memref<1x1x128xi32, #tpu.memory_space<vmem>>
        %dma_start3A_157 = tpu.memref_squeeze %dma_start3A_156 : memref<1x1x128xi32, #tpu.memory_space<vmem>> -> memref<1x128xi32, #tpu.memory_space<vmem>>
        %dma_start3A_158 = arith.constant 0 : i32
        %dma_start3A_159 = tpu.memref_slice %arg3[%add3A_152, %dma_start3A_158] : memref<2560x128xi32, #tpu.memory_space<hbm>> -> memref<1x128xi32, #tpu.memory_space<hbm>>
        %dma_start3A_160 = arith.constant 0 : i32
        %dma_start3A_161 = arith.constant 0 : i32
        %dma_start3A_162 = tpu.memref_slice %arg9[%dma_start3A_153, %dma_start3A_160, %dma_start3A_161] : memref<2x1x128xi32, #tpu.memory_space<vmem>> -> memref<1x1x128xi32, #tpu.memory_space<vmem>>
        %dma_start3A_163 = tpu.memref_squeeze %dma_start3A_162 : memref<1x1x128xi32, #tpu.memory_space<vmem>> -> memref<1x128xi32, #tpu.memory_space<vmem>>
        %dma_start3A_164 = arith.constant 0 : i32
        %dma_start3A_165 = tpu.memref_slice %arg3[%add3A_152, %dma_start3A_164] : memref<2560x128xi32, #tpu.memory_space<hbm>> -> memref<1x128xi32, #tpu.memory_space<hbm>>
        tpu.enqueue_dma source(%dma_start3A_165 : memref<1x128xi32, #tpu.memory_space<hbm>>) target(%dma_start3A_163 : memref<1x128xi32, #tpu.memory_space<vmem>>) target_semaphore(%arg19 : memref<!tpu.dma_semaphore, #tpu.memory_space<semaphore_mem>>)
      } else {
      }
      %add3A_139 = arith.constant 1 : i32
      %add3A_140 = arith.addi %mul3A_104, %add3A_139 : i32
      "tpu.region"() ({
        %run_scoped3A_150 = tpu.sem_alloc : memref<!tpu.dma_semaphore, #tpu.memory_space<semaphore_mem>>
        %dma_start3A_151 = arith.constant 0 : i32
        %dma_start3A_152 = tpu.memref_slice %arg10[%add3A_140, %dma_start3A_151] : memref<80x128xi32, #tpu.memory_space<vmem>> -> memref<1x128xi32, #tpu.memory_space<vmem>>
        %dma_start3A_153 = tpu.memref_squeeze %dma_start3A_152 : memref<1x128xi32, #tpu.memory_space<vmem>> -> memref<128xi32, #tpu.memory_space<vmem>>
        %dma_start3A_154 = arith.constant 0 : i32
        %dma_start3A_155 = tpu.memref_slice %arg15[%dma_start3A_154] : memref<10240xf32, #tpu.memory_space<vmem_shared>> -> memref<10240xf32, #tpu.memory_space<vmem_shared>>
        tpu.enqueue_indirect_dma source(%arg13 : memref<128xf32, #tpu.memory_space<vmem>>) target(%dma_start3A_155 : memref<10240xf32, #tpu.memory_space<vmem_shared>>) offsets(%dma_start3A_153 : memref<128xi32, #tpu.memory_space<vmem>>) semaphore(%run_scoped3A_150 : memref<!tpu.dma_semaphore, #tpu.memory_space<semaphore_mem>>) {add = true}
        %dma_wait3A_156 = arith.constant 0 : i32
        %dma_wait3A_157 = tpu.memref_slice %arg10[%add3A_140, %dma_wait3A_156] : memref<80x128xi32, #tpu.memory_space<vmem>> -> memref<1x128xi32, #tpu.memory_space<vmem>>
        %dma_wait3A_158 = tpu.memref_squeeze %dma_wait3A_157 : memref<1x128xi32, #tpu.memory_space<vmem>> -> memref<128xi32, #tpu.memory_space<vmem>>
        %dma_wait3A_159 = arith.constant 0 : i32
        %dma_wait3A_160 = tpu.memref_slice %arg15[%dma_wait3A_159] : memref<10240xf32, #tpu.memory_space<vmem_shared>> -> memref<10240xf32, #tpu.memory_space<vmem_shared>>
        tpu.wait_indirect_dma semaphore(%run_scoped3A_150 : memref<!tpu.dma_semaphore, #tpu.memory_space<semaphore_mem>>) src(%arg13 : memref<128xf32, #tpu.memory_space<vmem>>) dst(%dma_wait3A_160 : memref<10240xf32, #tpu.memory_space<vmem_shared>>)
        tpu.yield
      }) : () -> ()
      %add3A_141 = arith.constant 1 : i32
      %add3A_142 = arith.addi %mul3A_104, %add3A_141 : i32
      "tpu.region"() ({
        %run_scoped3A_150 = tpu.sem_alloc : memref<!tpu.dma_semaphore, #tpu.memory_space<semaphore_mem>>
        %dma_start3A_151 = arith.constant 0 : i32
        %dma_start3A_152 = tpu.memref_slice %arg10[%add3A_142, %dma_start3A_151] : memref<80x128xi32, #tpu.memory_space<vmem>> -> memref<1x128xi32, #tpu.memory_space<vmem>>
        %dma_start3A_153 = tpu.memref_squeeze %dma_start3A_152 : memref<1x128xi32, #tpu.memory_space<vmem>> -> memref<128xi32, #tpu.memory_space<vmem>>
        %dma_start3A_154 = arith.constant 0 : i32
        %dma_start3A_155 = arith.constant 0 : i32
        %dma_start3A_156 = tpu.memref_slice %arg14[%dma_start3A_154, %dma_start3A_155] : memref<10240x128xf32, #tpu.memory_space<vmem_shared>> -> memref<10240x128xf32, #tpu.memory_space<vmem_shared>>
        tpu.enqueue_indirect_dma source(%arg12 : memref<128x128xf32, #tpu.memory_space<vmem>>) target(%dma_start3A_156 : memref<10240x128xf32, #tpu.memory_space<vmem_shared>>) offsets(%dma_start3A_153 : memref<128xi32, #tpu.memory_space<vmem>>) semaphore(%run_scoped3A_150 : memref<!tpu.dma_semaphore, #tpu.memory_space<semaphore_mem>>) {add = true}
        %dma_wait3A_157 = arith.constant 0 : i32
        %dma_wait3A_158 = tpu.memref_slice %arg10[%add3A_142, %dma_wait3A_157] : memref<80x128xi32, #tpu.memory_space<vmem>> -> memref<1x128xi32, #tpu.memory_space<vmem>>
        %dma_wait3A_159 = tpu.memref_squeeze %dma_wait3A_158 : memref<1x128xi32, #tpu.memory_space<vmem>> -> memref<128xi32, #tpu.memory_space<vmem>>
        %dma_wait3A_160 = arith.constant 0 : i32
        %dma_wait3A_161 = arith.constant 0 : i32
        %dma_wait3A_162 = tpu.memref_slice %arg14[%dma_wait3A_160, %dma_wait3A_161] : memref<10240x128xf32, #tpu.memory_space<vmem_shared>> -> memref<10240x128xf32, #tpu.memory_space<vmem_shared>>
        tpu.wait_indirect_dma semaphore(%run_scoped3A_150 : memref<!tpu.dma_semaphore, #tpu.memory_space<semaphore_mem>>) src(%arg12 : memref<128x128xf32, #tpu.memory_space<vmem>>) dst(%dma_wait3A_162 : memref<10240x128xf32, #tpu.memory_space<vmem_shared>>)
        tpu.yield
      }) : () -> ()
      %add3A_143 = arith.constant 3 : i32
      %add3A_144 = arith.addi %mul3A_104, %add3A_143 : i32
      %lt3A_145 = arith.constant 80 : i32
      %lt3A_146 = arith.cmpi slt, %add3A_144, %lt3A_145 : i32
      %convert_element_type3A_147 = arith.extui %lt3A_146 : i1 to i32
      %cond3A_148 = arith.constant 0 : i32
      %cond3A_149 = arith.cmpi ne, %convert_element_type3A_147, %cond3A_148 : i32
      scf.if %cond3A_149 {
        %add3A_150 = arith.addi %mul3A_9, %mul3A_104 : i32
        %add3A_151 = arith.constant 3 : i32
        %add3A_152 = arith.addi %add3A_150, %add3A_151 : i32
        %dma_wait3A_153 = arith.constant 1 : i32
        %dma_wait3A_154 = arith.constant 0 : i32
        %dma_wait3A_155 = arith.constant 0 : i32
        %dma_wait3A_156 = tpu.memref_slice %arg9[%dma_wait3A_153, %dma_wait3A_154, %dma_wait3A_155] : memref<2x1x128xi32, #tpu.memory_space<vmem>> -> memref<1x1x128xi32, #tpu.memory_space<vmem>>
        %dma_wait3A_157 = tpu.memref_squeeze %dma_wait3A_156 : memref<1x1x128xi32, #tpu.memory_space<vmem>> -> memref<1x128xi32, #tpu.memory_space<vmem>>
        %dma_wait3A_158 = arith.constant 0 : i32
        %dma_wait3A_159 = tpu.memref_slice %arg3[%add3A_152, %dma_wait3A_158] : memref<2560x128xi32, #tpu.memory_space<hbm>> -> memref<1x128xi32, #tpu.memory_space<hbm>>
        %dma_wait3A_160 = arith.constant 0 : i32
        %dma_wait3A_161 = arith.constant 0 : i32
        %dma_wait3A_162 = tpu.memref_slice %arg9[%dma_wait3A_153, %dma_wait3A_160, %dma_wait3A_161] : memref<2x1x128xi32, #tpu.memory_space<vmem>> -> memref<1x1x128xi32, #tpu.memory_space<vmem>>
        %dma_wait3A_163 = tpu.memref_squeeze %dma_wait3A_162 : memref<1x1x128xi32, #tpu.memory_space<vmem>> -> memref<1x128xi32, #tpu.memory_space<vmem>>
        %dma_wait3A_164 = arith.constant 0 : i32
        %dma_wait3A_165 = tpu.memref_slice %arg3[%add3A_152, %dma_wait3A_164] : memref<2560x128xi32, #tpu.memory_space<hbm>> -> memref<1x128xi32, #tpu.memory_space<hbm>>
        tpu.wait_dma2 semaphore(%arg19 : memref<!tpu.dma_semaphore, #tpu.memory_space<semaphore_mem>>) src(%dma_wait3A_165 : memref<1x128xi32, #tpu.memory_space<hbm>>) dst(%dma_wait3A_163 : memref<1x128xi32, #tpu.memory_space<vmem>>)
        %dma_start3A_166 = arith.constant 1 : i32
        %dma_start3A_167 = arith.constant 0 : i32
        %dma_start3A_168 = arith.constant 0 : i32
        %dma_start3A_169 = tpu.memref_slice %arg9[%dma_start3A_166, %dma_start3A_167, %dma_start3A_168] : memref<2x1x128xi32, #tpu.memory_space<vmem>> -> memref<1x1x128xi32, #tpu.memory_space<vmem>>
        %dma_start3A_170 = tpu.memref_squeeze %dma_start3A_169 : memref<1x1x128xi32, #tpu.memory_space<vmem>> -> memref<128xi32, #tpu.memory_space<vmem>>
        %dma_start3A_171 = arith.constant 0 : i32
        %dma_start3A_172 = arith.constant 0 : i32
        %dma_start3A_173 = tpu.memref_slice %arg2[%dma_start3A_171, %dma_start3A_172] : memref<10000x128xf32, #tpu.memory_space<hbm>> -> memref<10000x128xf32, #tpu.memory_space<hbm>>
        tpu.enqueue_indirect_dma source(%dma_start3A_173 : memref<10000x128xf32, #tpu.memory_space<hbm>>) target(%arg12 : memref<128x128xf32, #tpu.memory_space<vmem>>) offsets(%dma_start3A_170 : memref<128xi32, #tpu.memory_space<vmem>>) semaphore(%arg17 : memref<!tpu.dma_semaphore, #tpu.memory_space<semaphore_mem>>)
      } else {
      }
    }
    %scan3A_84 = arith.constant 40 : i32
    %barrier3A_85 = arith.constant 0 : index
    tpu.barrier barrier_id(%barrier3A_85)
    %dma_start3A_86 = arith.constant 0 : i32
    %dma_start3A_87 = tpu.memref_slice %arg7[%arg0, %mul3A_2, %dma_start3A_86] : memref<2x10240x128xf32, #tpu.memory_space<hbm>> -> memref<1x640x128xf32, #tpu.memory_space<hbm>>
    %dma_start3A_88 = tpu.memref_squeeze %dma_start3A_87 : memref<1x640x128xf32, #tpu.memory_space<hbm>> -> memref<640x128xf32, #tpu.memory_space<hbm>>
    %dma_start3A_89 = arith.constant 0 : i32
    %dma_start3A_90 = tpu.memref_slice %arg14[%mul3A_2, %dma_start3A_89] : memref<10240x128xf32, #tpu.memory_space<vmem_shared>> -> memref<640x128xf32, #tpu.memory_space<vmem_shared>>
    tpu.enqueue_dma source(%dma_start3A_90 : memref<640x128xf32, #tpu.memory_space<vmem_shared>>) target(%dma_start3A_88 : memref<640x128xf32, #tpu.memory_space<hbm>>) target_semaphore(%arg20 : memref<!tpu.dma_semaphore, #tpu.memory_space<semaphore_mem>>)
    %dma_start3A_91 = tpu.memref_slice %arg8[%arg0, %mul3A_2] : memref<2x10240xf32, #tpu.memory_space<hbm>> -> memref<1x640xf32, #tpu.memory_space<hbm>>
    %dma_start3A_92 = tpu.memref_squeeze %dma_start3A_91 : memref<1x640xf32, #tpu.memory_space<hbm>> -> memref<640xf32, #tpu.memory_space<hbm>>
    %dma_start3A_93 = tpu.memref_slice %arg15[%mul3A_2] : memref<10240xf32, #tpu.memory_space<vmem_shared>> -> memref<640xf32, #tpu.memory_space<vmem_shared>>
    tpu.enqueue_dma source(%dma_start3A_93 : memref<640xf32, #tpu.memory_space<vmem_shared>>) target(%dma_start3A_92 : memref<640xf32, #tpu.memory_space<hbm>>) target_semaphore(%arg20 : memref<!tpu.dma_semaphore, #tpu.memory_space<semaphore_mem>>)
    %dma_wait3A_94 = arith.constant 0 : i32
    %dma_wait3A_95 = tpu.memref_slice %arg7[%arg0, %mul3A_2, %dma_wait3A_94] : memref<2x10240x128xf32, #tpu.memory_space<hbm>> -> memref<1x640x128xf32, #tpu.memory_space<hbm>>
    %dma_wait3A_96 = tpu.memref_squeeze %dma_wait3A_95 : memref<1x640x128xf32, #tpu.memory_space<hbm>> -> memref<640x128xf32, #tpu.memory_space<hbm>>
    %dma_wait3A_97 = arith.constant 0 : i32
    %dma_wait3A_98 = tpu.memref_slice %arg14[%mul3A_2, %dma_wait3A_97] : memref<10240x128xf32, #tpu.memory_space<vmem_shared>> -> memref<640x128xf32, #tpu.memory_space<vmem_shared>>
    tpu.wait_dma2 semaphore(%arg20 : memref<!tpu.dma_semaphore, #tpu.memory_space<semaphore_mem>>) src(%dma_wait3A_98 : memref<640x128xf32, #tpu.memory_space<vmem_shared>>) dst(%dma_wait3A_96 : memref<640x128xf32, #tpu.memory_space<hbm>>)
    %dma_wait3A_99 = tpu.memref_slice %arg8[%arg0, %mul3A_2] : memref<2x10240xf32, #tpu.memory_space<hbm>> -> memref<1x640xf32, #tpu.memory_space<hbm>>
    %dma_wait3A_100 = tpu.memref_squeeze %dma_wait3A_99 : memref<1x640xf32, #tpu.memory_space<hbm>> -> memref<640xf32, #tpu.memory_space<hbm>>
    %dma_wait3A_101 = tpu.memref_slice %arg15[%mul3A_2] : memref<10240xf32, #tpu.memory_space<vmem_shared>> -> memref<640xf32, #tpu.memory_space<vmem_shared>>
    tpu.wait_dma2 semaphore(%arg20 : memref<!tpu.dma_semaphore, #tpu.memory_space<semaphore_mem>>) src(%dma_wait3A_101 : memref<640xf32, #tpu.memory_space<vmem_shared>>) dst(%dma_wait3A_100 : memref<640xf32, #tpu.memory_space<hbm>>)
    return
  }
}

module attributes {stable_mosaic.version = 14 : i64} {
  func.func @sage_dense(%arg0: i32, %arg1: memref<5000x128xf32, #tpu.memory_space<vmem>>, %arg2: memref<2x5000x128xf32, #tpu.memory_space<vmem>>, %arg3: memref<5000x2xf32, #tpu.memory_space<vmem>>, %arg4: memref<128x128xf32, #tpu.memory_space<vmem>>, %arg5: memref<128x128xf32, #tpu.memory_space<vmem>>, %arg6: memref<1x128xf32, #tpu.memory_space<vmem>>, %arg7: memref<1x128xf32, #tpu.memory_space<vmem>>, %arg8: memref<128x40xf32, #tpu.memory_space<vmem>>, %arg9: memref<1x40xf32, #tpu.memory_space<vmem>>, %arg10: memref<1x40xf32, #tpu.memory_space<vmem>>, %arg11: memref<5000x128xf32, #tpu.memory_space<vmem>>, %arg12: memref<5000x40xf32, #tpu.memory_space<vmem>>) attributes {dimension_semantics = [#tpu.dimension_semantics<arbitrary>], iteration_bounds = array<i64: 2>, scalar_prefetch = 0 : i64, scratch_operands = 0 : i64, tpu.core_type = #tpu.core_type<tc>, window_params = [{transform_indices = @transform_0, window_bounds = array<i64: 5000, 128>}, {transform_indices = @transform_1, window_bounds = array<i64: 2, 5000, 128>}, {transform_indices = @transform_2, window_bounds = array<i64: 5000, 2>}, {pipeline_mode = #tpu.pipeline_mode<synchronous>, transform_indices = @transform_3, window_bounds = array<i64: 128, 128>}, {pipeline_mode = #tpu.pipeline_mode<synchronous>, transform_indices = @transform_4, window_bounds = array<i64: 128, 128>}, {pipeline_mode = #tpu.pipeline_mode<synchronous>, transform_indices = @transform_5, window_bounds = array<i64: 1, 128>}, {pipeline_mode = #tpu.pipeline_mode<synchronous>, transform_indices = @transform_6, window_bounds = array<i64: 1, 128>}, {pipeline_mode = #tpu.pipeline_mode<synchronous>, transform_indices = @transform_7, window_bounds = array<i64: 128, 40>}, {pipeline_mode = #tpu.pipeline_mode<synchronous>, transform_indices = @transform_8, window_bounds = array<i64: 1, 40>}, {pipeline_mode = #tpu.pipeline_mode<synchronous>, transform_indices = @transform_9, window_bounds = array<i64: 1, 40>}, {transform_indices = @transform_10, window_bounds = array<i64: 5000, 128>}, {transform_indices = @transform_11, window_bounds = array<i64: 5000, 40>}]} {
    %get3A = arith.constant 0 : index
    %get3A_0 = arith.constant 0 : index
    %get3A_1 = vector.load %arg3[%get3A, %get3A_0] : memref<5000x2xf32, #tpu.memory_space<vmem>>, vector<5000x1xf32>
    %get3A_2 = arith.constant 0 : index
    %get3A_3 = arith.constant 1 : index
    %get3A_4 = vector.load %arg3[%get3A_2, %get3A_3] : memref<5000x2xf32, #tpu.memory_space<vmem>>, vector<5000x1xf32>
    %add3A = arith.addf %get3A_1, %get3A_4 : vector<5000x1xf32>
    %max3A = arith.constant 1.000000e+00 : f32
    %max3A_5 = vector.broadcast %max3A : f32 to vector<5000x1xf32>
    %max3A_6 = arith.maximumf %add3A, %max3A_5 : vector<5000x1xf32>
    %div3A = arith.constant 1.000000e+00 : f32
    %div3A_7 = vector.broadcast %div3A : f32 to vector<5000x1xf32>
    %div3A_8 = arith.divf %div3A_7, %max3A_6 : vector<5000x1xf32>
    %get3A_9 = arith.constant 0 : index
    %get3A_10 = arith.constant 0 : index
    %get3A_11 = arith.constant 0 : index
    %get3A_12 = vector.load %arg2[%get3A_9, %get3A_10, %get3A_11] : memref<2x5000x128xf32, #tpu.memory_space<vmem>>, vector<1x5000x128xf32>
    %get3A_13 = vector.shape_cast %get3A_12 : vector<1x5000x128xf32> to vector<5000x128xf32>
    %get3A_14 = arith.constant 1 : index
    %get3A_15 = arith.constant 0 : index
    %get3A_16 = arith.constant 0 : index
    %get3A_17 = vector.load %arg2[%get3A_14, %get3A_15, %get3A_16] : memref<2x5000x128xf32, #tpu.memory_space<vmem>>, vector<1x5000x128xf32>
    %get3A_18 = vector.shape_cast %get3A_17 : vector<1x5000x128xf32> to vector<5000x128xf32>
    %add3A_19 = arith.addf %get3A_13, %get3A_18 : vector<5000x128xf32>
    %mul3A = vector.broadcast %div3A_8 : vector<5000x1xf32> to vector<5000x128xf32>
    %mul3A_20 = arith.mulf %add3A_19, %mul3A : vector<5000x128xf32>
    %get3A_21 = arith.constant 0 : index
    %get3A_22 = arith.constant 0 : index
    %get3A_23 = vector.load %arg1[%get3A_21, %get3A_22] : memref<5000x128xf32, #tpu.memory_space<vmem>>, vector<5000x128xf32>
    %get3A_24 = arith.constant 0 : index
    %get3A_25 = arith.constant 0 : index
    %get3A_26 = vector.load %arg4[%get3A_24, %get3A_25] : memref<128x128xf32, #tpu.memory_space<vmem>>, vector<128x128xf32>
    %dot_general3A = arith.constant dense<0.000000e+00> : vector<5000x128xf32>
    %dot_general3A_27 = tpu.matmul %get3A_23, %get3A_26, %dot_general3A {dimension_numbers = #tpu.dot_dimension_numbers<[1], [0], [0], [1], [0, 0, 1, 1], [], []>, transpose_lhs_hint = false} : vector<5000x128xf32>, vector<128x128xf32>, vector<5000x128xf32> -> vector<5000x128xf32>
    %get3A_28 = arith.constant 0 : index
    %get3A_29 = arith.constant 0 : index
    %get3A_30 = vector.load %arg5[%get3A_28, %get3A_29] : memref<128x128xf32, #tpu.memory_space<vmem>>, vector<128x128xf32>
    %dot_general3A_31 = arith.constant dense<0.000000e+00> : vector<5000x128xf32>
    %dot_general3A_32 = tpu.matmul %mul3A_20, %get3A_30, %dot_general3A_31 {dimension_numbers = #tpu.dot_dimension_numbers<[1], [0], [0], [1], [0, 0, 1, 1], [], []>, transpose_lhs_hint = false} : vector<5000x128xf32>, vector<128x128xf32>, vector<5000x128xf32> -> vector<5000x128xf32>
    %add3A_33 = arith.addf %dot_general3A_27, %dot_general3A_32 : vector<5000x128xf32>
    %get3A_34 = arith.constant 0 : index
    %get3A_35 = arith.constant 0 : index
    %get3A_36 = vector.load %arg6[%get3A_34, %get3A_35] : memref<1x128xf32, #tpu.memory_space<vmem>>, vector<1x128xf32>
    %add3A_37 = vector.broadcast %get3A_36 : vector<1x128xf32> to vector<5000x128xf32>
    %add3A_38 = arith.addf %add3A_33, %add3A_37 : vector<5000x128xf32>
    %get3A_39 = arith.constant 0 : index
    %get3A_40 = arith.constant 0 : index
    %get3A_41 = vector.load %arg7[%get3A_39, %get3A_40] : memref<1x128xf32, #tpu.memory_space<vmem>>, vector<1x128xf32>
    %add3A_42 = vector.broadcast %get3A_41 : vector<1x128xf32> to vector<5000x128xf32>
    %add3A_43 = arith.addf %add3A_38, %add3A_42 : vector<5000x128xf32>
    %max3A_44 = arith.constant 0.000000e+00 : f32
    %max3A_45 = vector.broadcast %max3A_44 : f32 to vector<5000x128xf32>
    %max3A_46 = arith.maximumf %add3A_43, %max3A_45 : vector<5000x128xf32>
    %mul3A_47 = arith.mulf %max3A_46, %max3A_46 : vector<5000x128xf32>
    %reduce_sum3A = arith.constant dense<0.000000e+00> : vector<5000xf32>
    %reduce_sum3A_48 = vector.multi_reduction <add>, %mul3A_47, %reduce_sum3A [1] : vector<5000x128xf32> to vector<5000xf32>
    %broadcast_in_dim3A = vector.shape_cast %reduce_sum3A_48 : vector<5000xf32> to vector<5000x1xf32>
    %sqrt3A = math.sqrt %broadcast_in_dim3A : vector<5000x1xf32>
    %max3A_49 = arith.constant 9.99999996E-13 : f32
    %max3A_50 = vector.broadcast %max3A_49 : f32 to vector<5000x1xf32>
    %max3A_51 = arith.maximumf %sqrt3A, %max3A_50 : vector<5000x1xf32>
    %div3A_52 = vector.broadcast %max3A_51 : vector<5000x1xf32> to vector<5000x128xf32>
    %div3A_53 = arith.divf %max3A_46, %div3A_52 : vector<5000x128xf32>
    %swap3A = arith.constant 0 : index
    %swap3A_54 = arith.constant 0 : index
    %swap3A_55 = vector.load %arg11[%swap3A, %swap3A_54] : memref<5000x128xf32, #tpu.memory_space<vmem>>, vector<5000x128xf32>
    tpu.vector_store %arg11[%swap3A, %swap3A_54], %div3A_53 {strides = array<i32>} : memref<5000x128xf32, #tpu.memory_space<vmem>>, vector<5000x128xf32>,
    %get3A_56 = arith.constant 0 : index
    %get3A_57 = arith.constant 0 : index
    %get3A_58 = vector.load %arg8[%get3A_56, %get3A_57] : memref<128x40xf32, #tpu.memory_space<vmem>>, vector<128x40xf32>
    %dot_general3A_59 = arith.constant dense<0.000000e+00> : vector<5000x40xf32>
    %dot_general3A_60 = tpu.matmul %div3A_53, %get3A_58, %dot_general3A_59 {dimension_numbers = #tpu.dot_dimension_numbers<[1], [0], [0], [1], [0, 0, 1, 1], [], []>, transpose_lhs_hint = false} : vector<5000x128xf32>, vector<128x40xf32>, vector<5000x40xf32> -> vector<5000x40xf32>
    %get3A_61 = arith.constant 0 : index
    %get3A_62 = arith.constant 0 : index
    %get3A_63 = vector.load %arg9[%get3A_61, %get3A_62] : memref<1x40xf32, #tpu.memory_space<vmem>>, vector<1x40xf32>
    %add3A_64 = vector.broadcast %get3A_63 : vector<1x40xf32> to vector<5000x40xf32>
    %add3A_65 = arith.addf %dot_general3A_60, %add3A_64 : vector<5000x40xf32>
    %get3A_66 = arith.constant 0 : index
    %get3A_67 = arith.constant 0 : index
    %get3A_68 = vector.load %arg10[%get3A_66, %get3A_67] : memref<1x40xf32, #tpu.memory_space<vmem>>, vector<1x40xf32>
    %add3A_69 = vector.broadcast %get3A_68 : vector<1x40xf32> to vector<5000x40xf32>
    %add3A_70 = arith.addf %add3A_65, %add3A_69 : vector<5000x40xf32>
    %swap3A_71 = arith.constant 0 : index
    %swap3A_72 = arith.constant 0 : index
    %swap3A_73 = vector.load %arg12[%swap3A_71, %swap3A_72] : memref<5000x40xf32, #tpu.memory_space<vmem>>, vector<5000x40xf32>
    tpu.vector_store %arg12[%swap3A_71, %swap3A_72], %add3A_70 {strides = array<i32>} : memref<5000x40xf32, #tpu.memory_space<vmem>>, vector<5000x40xf32>,
    return
  }
  func.func @transform_0(%arg0: i32) -> (i32, i32) {
    %c0_i32 = arith.constant 0 : i32
    %c0_i32_0 = arith.constant 0 : i32
    return %arg0, %c0_i32 : i32, i32
  }
  func.func @transform_1(%arg0: i32) -> (i32, i32, i32) {
    %c0_i32 = arith.constant 0 : i32
    %c0_i32_0 = arith.constant 0 : i32
    %c0_i32_1 = arith.constant 0 : i32
    return %c0_i32, %arg0, %c0_i32_0 : i32, i32, i32
  }
  func.func @transform_2(%arg0: i32) -> (i32, i32) {
    %c0_i32 = arith.constant 0 : i32
    %c0_i32_0 = arith.constant 0 : i32
    return %arg0, %c0_i32 : i32, i32
  }
  func.func @transform_3(%arg0: i32) -> (i32, i32) {
    %c0_i32 = arith.constant 0 : i32
    %c0_i32_0 = arith.constant 0 : i32
    %c0_i32_1 = arith.constant 0 : i32
    return %c0_i32, %c0_i32_0 : i32, i32
  }
  func.func @transform_4(%arg0: i32) -> (i32, i32) {
    %c0_i32 = arith.constant 0 : i32
    %c0_i32_0 = arith.constant 0 : i32
    %c0_i32_1 = arith.constant 0 : i32
    return %c0_i32, %c0_i32_0 : i32, i32
  }
  func.func @transform_5(%arg0: i32) -> (i32, i32) {
    %c0_i32 = arith.constant 0 : i32
    %c0_i32_0 = arith.constant 0 : i32
    %c0_i32_1 = arith.constant 0 : i32
    return %c0_i32, %c0_i32_0 : i32, i32
  }
  func.func @transform_6(%arg0: i32) -> (i32, i32) {
    %c0_i32 = arith.constant 0 : i32
    %c0_i32_0 = arith.constant 0 : i32
    %c0_i32_1 = arith.constant 0 : i32
    return %c0_i32, %c0_i32_0 : i32, i32
  }
  func.func @transform_7(%arg0: i32) -> (i32, i32) {
    %c0_i32 = arith.constant 0 : i32
    %c0_i32_0 = arith.constant 0 : i32
    %c0_i32_1 = arith.constant 0 : i32
    return %c0_i32, %c0_i32_0 : i32, i32
  }
  func.func @transform_8(%arg0: i32) -> (i32, i32) {
    %c0_i32 = arith.constant 0 : i32
    %c0_i32_0 = arith.constant 0 : i32
    %c0_i32_1 = arith.constant 0 : i32
    return %c0_i32, %c0_i32_0 : i32, i32
  }
  func.func @transform_9(%arg0: i32) -> (i32, i32) {
    %c0_i32 = arith.constant 0 : i32
    %c0_i32_0 = arith.constant 0 : i32
    %c0_i32_1 = arith.constant 0 : i32
    return %c0_i32, %c0_i32_0 : i32, i32
  }
  func.func @transform_10(%arg0: i32) -> (i32, i32) {
    %c0_i32 = arith.constant 0 : i32
    %c0_i32_0 = arith.constant 0 : i32
    return %arg0, %c0_i32 : i32, i32
  }
  func.func @transform_11(%arg0: i32) -> (i32, i32) {
    %c0_i32 = arith.constant 0 : i32
    %c0_i32_0 = arith.constant 0 : i32
    return %arg0, %c0_i32 : i32, i32
  }
}

module attributes {stable_mosaic.version = 14 : i64} {
  func.func @sage_combine(%arg0: i32, %arg1: memref<5000x40xf32, #tpu.memory_space<vmem>>, %arg2: memref<2x5000x128xf32, #tpu.memory_space<vmem>>, %arg3: memref<5000x2xf32, #tpu.memory_space<vmem>>, %arg4: memref<128x40xf32, #tpu.memory_space<vmem>>, %arg5: memref<5000x40xf32, #tpu.memory_space<vmem>>) attributes {dimension_semantics = [#tpu.dimension_semantics<arbitrary>], iteration_bounds = array<i64: 2>, scalar_prefetch = 0 : i64, scratch_operands = 0 : i64, tpu.core_type = #tpu.core_type<tc>, window_params = [{transform_indices = @transform_0, window_bounds = array<i64: 5000, 40>}, {transform_indices = @transform_1, window_bounds = array<i64: 2, 5000, 128>}, {transform_indices = @transform_2, window_bounds = array<i64: 5000, 2>}, {pipeline_mode = #tpu.pipeline_mode<synchronous>, transform_indices = @transform_3, window_bounds = array<i64: 128, 40>}, {transform_indices = @transform_4, window_bounds = array<i64: 5000, 40>}]} {
    %get3A = arith.constant 0 : index
    %get3A_0 = arith.constant 0 : index
    %get3A_1 = vector.load %arg3[%get3A, %get3A_0] : memref<5000x2xf32, #tpu.memory_space<vmem>>, vector<5000x1xf32>
    %get3A_2 = arith.constant 0 : index
    %get3A_3 = arith.constant 1 : index
    %get3A_4 = vector.load %arg3[%get3A_2, %get3A_3] : memref<5000x2xf32, #tpu.memory_space<vmem>>, vector<5000x1xf32>
    %add3A = arith.addf %get3A_1, %get3A_4 : vector<5000x1xf32>
    %max3A = arith.constant 1.000000e+00 : f32
    %max3A_5 = vector.broadcast %max3A : f32 to vector<5000x1xf32>
    %max3A_6 = arith.maximumf %add3A, %max3A_5 : vector<5000x1xf32>
    %div3A = arith.constant 1.000000e+00 : f32
    %div3A_7 = vector.broadcast %div3A : f32 to vector<5000x1xf32>
    %div3A_8 = arith.divf %div3A_7, %max3A_6 : vector<5000x1xf32>
    %get3A_9 = arith.constant 0 : index
    %get3A_10 = arith.constant 0 : index
    %get3A_11 = arith.constant 0 : index
    %get3A_12 = vector.load %arg2[%get3A_9, %get3A_10, %get3A_11] : memref<2x5000x128xf32, #tpu.memory_space<vmem>>, vector<1x5000x128xf32>
    %get3A_13 = vector.shape_cast %get3A_12 : vector<1x5000x128xf32> to vector<5000x128xf32>
    %get3A_14 = arith.constant 1 : index
    %get3A_15 = arith.constant 0 : index
    %get3A_16 = arith.constant 0 : index
    %get3A_17 = vector.load %arg2[%get3A_14, %get3A_15, %get3A_16] : memref<2x5000x128xf32, #tpu.memory_space<vmem>>, vector<1x5000x128xf32>
    %get3A_18 = vector.shape_cast %get3A_17 : vector<1x5000x128xf32> to vector<5000x128xf32>
    %add3A_19 = arith.addf %get3A_13, %get3A_18 : vector<5000x128xf32>
    %mul3A = vector.broadcast %div3A_8 : vector<5000x1xf32> to vector<5000x128xf32>
    %mul3A_20 = arith.mulf %add3A_19, %mul3A : vector<5000x128xf32>
    %get3A_21 = arith.constant 0 : index
    %get3A_22 = arith.constant 0 : index
    %get3A_23 = vector.load %arg1[%get3A_21, %get3A_22] : memref<5000x40xf32, #tpu.memory_space<vmem>>, vector<5000x40xf32>
    %get3A_24 = arith.constant 0 : index
    %get3A_25 = arith.constant 0 : index
    %get3A_26 = vector.load %arg4[%get3A_24, %get3A_25] : memref<128x40xf32, #tpu.memory_space<vmem>>, vector<128x40xf32>
    %dot_general3A = arith.constant dense<0.000000e+00> : vector<5000x40xf32>
    %dot_general3A_27 = tpu.matmul %mul3A_20, %get3A_26, %dot_general3A {dimension_numbers = #tpu.dot_dimension_numbers<[1], [0], [0], [1], [0, 0, 1, 1], [], []>, transpose_lhs_hint = false} : vector<5000x128xf32>, vector<128x40xf32>, vector<5000x40xf32> -> vector<5000x40xf32>
    %add3A_28 = arith.addf %get3A_23, %dot_general3A_27 : vector<5000x40xf32>
    %swap3A = arith.constant 0 : index
    %swap3A_29 = arith.constant 0 : index
    %swap3A_30 = vector.load %arg5[%swap3A, %swap3A_29] : memref<5000x40xf32, #tpu.memory_space<vmem>>, vector<5000x40xf32>
    tpu.vector_store %arg5[%swap3A, %swap3A_29], %add3A_28 {strides = array<i32>} : memref<5000x40xf32, #tpu.memory_space<vmem>>, vector<5000x40xf32>,
    return
  }
  func.func @transform_0(%arg0: i32) -> (i32, i32) {
    %c0_i32 = arith.constant 0 : i32
    %c0_i32_0 = arith.constant 0 : i32
    return %arg0, %c0_i32 : i32, i32
  }
  func.func @transform_1(%arg0: i32) -> (i32, i32, i32) {
    %c0_i32 = arith.constant 0 : i32
    %c0_i32_0 = arith.constant 0 : i32
    %c0_i32_1 = arith.constant 0 : i32
    return %c0_i32, %arg0, %c0_i32_0 : i32, i32, i32
  }
  func.func @transform_2(%arg0: i32) -> (i32, i32) {
    %c0_i32 = arith.constant 0 : i32
    %c0_i32_0 = arith.constant 0 : i32
    return %arg0, %c0_i32 : i32, i32
  }
  func.func @transform_3(%arg0: i32) -> (i32, i32) {
    %c0_i32 = arith.constant 0 : i32
    %c0_i32_0 = arith.constant 0 : i32
    %c0_i32_1 = arith.constant 0 : i32
    return %c0_i32, %c0_i32_0 : i32, i32
  }
  func.func @transform_4(%arg0: i32) -> (i32, i32) {
    %c0_i32 = arith.constant 0 : i32
    %c0_i32_0 = arith.constant 0 : i32
    return %arg0, %c0_i32 : i32, i32
  }
}

</mosaic_0001>

<sc_bundles>
// kernel: sage_scatter_l0.3.cloned.1.call-start
scs
__scs_entry_jumppad:
0x0: {  	(pc) =	sbr.rel $0x88, $3  }
0x1: {  	(tag) =	ssettag $0x0;
	lr =	simm.s32 $0x1  }
0x2: {  	[smem:$0x3F97] =	sst lr;
	_ =	strace $0xD0000000  }
0x3: {  	_ = 	snop  }
0x4: {  	_ = 	snop  }
0x5: {  	_ = 	snop  }
0x6: {  	_ = 	snop  }
0x7: {  	_ = 	snop  }
__scs_overlays_trampoline_lowered:
0x8: {  	[smem:$0x3FA6] =	sst s0  }
0x9: {  	[smem:$0x3FA7] =	sst s1  }
0xa: {  	[smem:$0x3FA8] =	sst s2  }
0xb: {  	[smem:$0x3FA9] =	sst s3  }
0xc: {  	[smem:$0x3FAA] =	sst s4  }
0xd: {  	[smem:$0x3FAB] =	sst s5  }
0xe: {  	[smem:$0x3FAC] =	sst s6  }
0xf: {  	[smem:$0x3FAD] =	sst s7  }
0x10: {  	[smem:$0x3FAE] =	sst s8  }
0x11: {  	[smem:$0x3FAF] =	sst s9;
	s0 =	simm.s32 @!p0 $0x0  }
0x12: {  	s1 =	sld [smem:$0x3F95];
	s0 =	simm.s32 @p0 $0x1  }
0x13: {  	[smem:$0x3FB0] =	sst s0;
	s0 =	simm.s32 @!p1 $0x0  }
0x14: {  	s2 =	sld [smem:$0x3F94];
	s0 =	simm.s32 @p1 $0x1  }
0x15: {  	[smem:$0x3FB1] =	sst s0;
	s0 =	simm.s32 @!p2 $0x0  }
0x16: {  	s3 =	sld [smem:$0x3FDB];
	s0 =	simm.s32 @p2 $0x1  }
0x17: {  	s4 =	simm.s32 $0x1BF5;
	[smem:$0x3FB3] =	sst s0  }
0x18: {  	s0 =	sld [smem:$0x3F96];
	_ =	swait.ge [sflag:s4], $0x0  }
0x19: {  	s7 =	sld [smem:$0x3F97]  }
0x1a: {  	s8 =	sadd.s32 $0xFFFFE003, lr  }
0x1b: {  	s9 =	sadd.s32 $0xFFFFFEF7, lr;
	s5 =	simm.s32 $0xFFFFFFFF;
	p2 =	slt.u32 s8, $0xFFFFF086  }
0x1c: {  	p1 =	slt.u32 s9, $0xF7A;
	s5 =	simm.s32 @!p2 $0x0  }
0x1d: {  	s5 =	simm.s32 @p1 $0x1;
	p0 =	seq.s32 s7, s2  }
0x1e: {  	s7 =	smul.u32 @!p0 $0xF7A, s2;
	p2 =	seq.s32 @!p0 s5, $0x0  }
0x1f: {  	s9 =	smul.u32 $0xF7A, s1;
	s8 =	simm.s32 @!p0 $0x1BF5;
	p2 =	por !p2, p0  }
0x20: {  	[sflag:s8] =	ssyncset.s32 @!p0 $0xFFFFF086;
	s6 =	sadd.s32 @!p0 s3, s7;
	s7 =	simm.s32 @!p0 $0x108  }
0x21: {  	s3 =	sadd.s32 s3, s9;
	s6 =	sadd.s32 @!p0 $0x88, s6;
	s7 =	simm.s32 @p2 $0x1082  }
0x22: {  	[simem:s7], [sflag:s8] =	dma.local @!p0 [hbm:s6], $0xF7A  }
0x23: {  	s9 =	sor.u32 $0xD0000000, s2;
	s6 =	simm.s32 $0x108;
	_ =	swait.ge @!p0 [sflag:s8], $0x0  }
0x24: {  	s3 =	sadd.s32 $0x88, s3;
	s6 =	simm.s32 @!p1 $0x1082;
	[sflag:s4] =	ssyncset.s32 $0xFFFFF086  }
0x25: {  	[simem:s6], [sflag:s4] =	dma.local [hbm:s3], $0xF7A  }
0x26: {  	[smem:$0x3F97] =	sst s1;
	(tag) =	ssettag s2;
	_ =	strace s9  }
0x27: {  	s1 =	sld [smem:$0x3FA7]  }
0x28: {  	s2 =	sld [smem:$0x3FA8]  }
0x29: {  	s4 =	sld [smem:$0x3FAA]  }
0x2a: {  	p0 =	seq.s32 s5, $0x0;
	s5 =	sld [smem:$0x3FAB]  }
0x2b: {  	s6 =	sld [smem:$0x3FAC]  }
0x2c: {  	s7 =	sld [smem:$0x3FAD]  }
0x2d: {  	s3 =	simm.s32 $0x108;
	s8 =	sld [smem:$0x3FAE]  }
0x2e: {  	s3 =	simm.s32 @!p0 $0x1082;
	s9 =	sld [smem:$0x3FAF]  }
0x2f: {  	lr =	sadd.s32 s0, s3;
	s0 =	sld [smem:$0x3FA6]  }
0x30: {  	s3 =	sld [smem:$0x3FA9]  }
0x31: {  	[smem:$0x3FB2] =	sst s10  }
0x32: {  	s10 =	sld [smem:$0x3FB0];
	_ =	sdelay $0x3  }
0x33: {  	p0 =	seq.s32 s10, $0x1;
	s10 =	sld [smem:$0x3FB2];
	_ =	sdelay $0x3  }
0x34: {  	[smem:$0x3FB2] =	sst s10  }
0x35: {  	s10 =	sld [smem:$0x3FB1];
	_ =	sdelay $0x3  }
0x36: {  	p1 =	seq.s32 s10, $0x1;
	s10 =	sld [smem:$0x3FB2];
	_ =	sdelay $0x3  }
0x37: {  	[smem:$0x3FB2] =	sst s10  }
0x38: {  	s10 =	sld [smem:$0x3FB3]  }
0x39: {  	_ = 	snop;
	(pc) =	sbr.ind lr, $3  }
0x3a: {  	_ = 	snop  }
0x3b: {  	_ = 	snop  }
0x3c: {  	p2 =	seq.s32 s10, $0x1;
	s10 =	sld [smem:$0x3FB2]  }
0x3d: {  	_ =	shalt  }
0x3e: {  	_ =	shalt  }
0x3f: {  	_ =	shalt  }
0x40: {  	_ =	shalt  }
0x41: {  	_ =	shalt  }
0x42: {  	_ =	shalt  }
0x43: {  	_ =	shalt  }
0x44: {  	_ =	shalt  }
0x45: {  	_ =	shalt  }
0x46: {  	_ =	shalt  }
0x47: {  	_ =	shalt  }
0x48: {  	_ =	shalt  }
0x49: {  	_ =	shalt  }
0x4a: {  	_ =	shalt  }
0x4b: {  	_ =	shalt  }
0x4c: {  	_ =	shalt  }
0x4d: {  	_ =	shalt  }
0x4e: {  	_ =	shalt  }
0x4f: {  	_ =	shalt  }
0x50: {  	_ =	shalt  }
0x51: {  	_ =	shalt  }
0x52: {  	_ =	shalt  }
0x53: {  	_ =	shalt  }
0x54: {  	_ =	shalt  }
0x55: {  	_ =	shalt  }
0x56: {  	_ =	shalt  }
0x57: {  	_ =	shalt  }
0x58: {  	_ =	shalt  }
0x59: {  	_ =	shalt  }
0x5a: {  	_ =	shalt  }
0x5b: {  	_ =	shalt  }
0x5c: {  	_ =	shalt  }
0x5d: {  	_ =	shalt  }
0x5e: {  	_ =	shalt  }
0x5f: {  	_ =	shalt  }
0x60: {  	_ =	shalt  }
0x61: {  	_ =	shalt  }
0x62: {  	_ =	shalt  }
0x63: {  	_ =	shalt  }
0x64: {  	_ =	shalt  }
0x65: {  	_ =	shalt  }
0x66: {  	_ =	shalt  }
0x67: {  	_ =	shalt  }
0x68: {  	_ =	shalt  }
0x69: {  	_ =	shalt  }
0x6a: {  	_ =	shalt  }
0x6b: {  	_ =	shalt  }
0x6c: {  	_ =	shalt  }
0x6d: {  	_ =	shalt  }
0x6e: {  	_ =	shalt  }
0x6f: {  	_ =	shalt  }
0x70: {  	_ =	shalt  }
0x71: {  	_ =	shalt  }
0x72: {  	_ =	shalt  }
0x73: {  	_ =	shalt  }
0x74: {  	_ =	shalt  }
0x75: {  	_ =	shalt  }
0x76: {  	_ =	shalt  }
0x77: {  	_ =	shalt  }
0x78: {  	_ =	shalt  }
0x79: {  	_ =	shalt  }
0x7a: {  	_ =	shalt  }
0x7b: {  	_ =	shalt  }
0x7c: {  	_ =	shalt  }
0x7d: {  	_ =	shalt  }
0x7e: {  	_ =	shalt  }
0x7f: {  	_ =	shalt  }
0x80: {  	_ =	shalt  }
0x81: {  	_ =	shalt  }
0x82: {  	_ =	shalt  }
0x83: {  	_ =	shalt  }
0x84: {  	_ =	shalt  }
0x85: {  	_ =	shalt  }
0x86: {  	_ =	shalt  }
0x87: {  	_ =	shalt  }
.Lfunc_end0:
.L_simem_size_0:
called_computation_lowered:
.L_overlay_start_0:
0x88: {  	s2 =	sld [smem:$0x3FD9]  }
0x89: {  	s3 =	sld [smem:$0x3FFE];
	_ =	sdelay $0x1  }
0x8a: {  	s1 =	srdreg.scid  }
0x8b: {  	s0 =	sand.u32 $0x1, s1  }
0x8c: {  	s17 =	sshll.u32 s0, $0xA;
	s2 =	sadd.s32 s3, s2  }
0x8d: {  	s2 =	sadd.s32 s2, s17  }
0x8e: {  	[smem:$0x3FBE] =	sst s2  }
0x8f: {  	_ = 	snop  }
0x90: {  	s2 =	sld [smem:$0x3FC9]  }
0x91: {  	s18 =	sld [smem:$0x3FD0];
	(tm) =	ssettm $0x1  }
0x92: {  	s4 =	sld [smem:$0x3FFB];
	_ =	sdelay $0x3  }
0x93: {  	_ =	strace s4  }
0x94: {  	s4 =	sld [smem:$0x3FFC];
	_ =	sdelay $0x3  }
0x95: {  	_ =	strace s4  }
0x96: {  	s4 =	sld [smem:$0x3FFD];
	_ =	sdelay $0x3  }
0x97: {  	_ =	strace s4  }
0x98: {  	_ =	strace $0x8FFFFFFF  }
0x99: {  	s19 =	sld [smem:$0x3FDB];
	_ =	sdelay $0x1  }
0x9a: {  	s5 =	simm.s32 $_scs_section_size  }
0x9b: {  	s6 =	simm.s32 $_size__tile_overlayer_lowered;
	s7 =	simm.s32 $_tile_overlayer_lowered  }
0x9c: {  	s22 =	simm.s32 $0x1BFF;
	s21 =	sshll.u32 s7, $0x1;
	s4 =	sadd.s32 s5, s19  }
0x9d: {  	s8 =	simm.s32 $0x0;
	s20 =	sshll.u32 s6, $0x1;
	s6 =	sadd.s32 s21, s4  }
0x9e: {  	[timem:s8], [sflag:s22] =	dma.local [hbm:s6], s20  }
0x9f: {  	_ =	swait.ge [sflag:s22], s20  }
0xa0: {  	s5 =	ssub.s32 $0x0, s20;
	[sflag:s22] =	ssyncset.done $0x0  }
0xa1: {  	[sflag:s22] =	ssyncadd.s32 s5;
	_ =	sdelay $0x1  }
0xa2: {  	s23 =	simm.s32 $0x1B8B  }
0xa3: {  	_ =	swait.ge [sflag:s23], $0x1  }
0xa4: {  	[sflag:s23] =	ssyncset.done $0x0  }
0xa5: {  	s25 =	simm.s32 $0x1B8E;
	s24 =	sld [smem:$0x3FFE];
	[sflag:s23] =	ssyncadd.s32 $0xFFFFFFFF  }
0xa6: {  	s26 =	simm.s32 $execute0_lowered;
	[smem:$0x3FD2] =	sst s25  }
0xa7: {  	s6 =	sshll.u32 s26, $0x1;
	_ =	strace $0x80000046;
	[dreg:$0x1] =	wrdreg $0xFFFFFFFF  }
0xa8: {  	s28 =	simm.s32 $_size_execute0_lowered;
	s4 =	sadd.s32 s4, s6;
	[dreg:$0x0] =	wrdreg $0x0  }
0xa9: {  	s6 =	sshll.u32 s28, $0x1;
	[dreg:$0x2] =	wrdreg s4  }
0xaa: {  	[dreg:$0x3] =	wrdreg s6  }
0xab: {  	[dreg:$0x4] =	wrdreg $0xC0  }
0xac: {  	_ =	task [dreg:s8], $0x5FFFF  }
0xad: {  	[dreg:$0x1] =	wrdreg $0xFFFFFFFF  }
0xae: {  	[dreg:$0x0] =	wrdreg $0x60  }
0xaf: {  	[dreg:$0x2] =	wrdreg s2  }
0xb0: {  	[dreg:$0x3] =	wrdreg s18  }
0xb1: {  	[dreg:$0x4] =	wrdreg s24  }
0xb2: {  	[dreg:$0x5] =	wrdreg $0xA9800  }
0xb3: {  	[dreg:$0x6] =	wrdreg $0x1E9800  }
0xb4: {  	[dreg:$0x7] =	wrdreg $0x9  }
0xb5: {  	_ =	task.clear_ibuf [dreg:s8], $0x8FFFF;
	_ =	strace $0x90000046  }
0xb6: {  	s29 =	simm.s32 $0x9;
	_ =	strace $0x80000048  }
0xb7: {  	_ =	swait.ge [sflag:s29], $0x1  }
0xb8: {  	[sflag:s29] =	ssyncadd.s32 $0xFFFFFFFF  }
0xb9: {  	_ =	strace $0x90000048  }
0xba: {  	_ =	sfence  }
0xbb: {  	s30 =	sld [smem:$0x0];
	_ =	sdelay $0x2  }
0xbc: {  	s31 =	sshll.u32 s1, $0xD;
	s1 =	sshrl.u32 s1, $0x2  }
0xbd: {  	s3 =	sand.u32 $0x4000, s31;
	s1 =	sadd.s32 s1, s30  }
0xbe: {  	s0 =	sor.u32 s3, s0;
	s1 =	sshll.u32 s1, $0x11  }
0xbf: {  	s0 =	sor.u32 s1, s0  }
0xc0: {  	s0 =	sadd.s32 $0x8F2B, s0  }
0xc1: {  	[sflag:s0] =	ssyncadd.remote.s32 $0x1  }
0xc2: {  	_ =	sfence.sel $0xFFFF  }
0xc3: {  	[dreg:$0x0] =	wrdreg $0xFFFFFFFF;
	(pc) =	sbr.abs _section_cstart, $3  }
0xc4: {  	[dreg:$0x1] =	wrdreg $0xFFFFFFFF  }
0xc5: {  	_ =	task.clear_ibuf [dreg:s8], $0x2FFFF;
	_ =	strace $0x9FFFFFFF  }
0xc6: {  	(tm) =	ssettm $0x7FFFFFFF  }
0xc7: {  	_ =	shalt  }
tec
execute0_lowered:
.L_overlay_start_1:
0x0: {  	(tag) =	ssettag $0x1  }
0x1: {  	s0 =	rddreg [dreg:$0x0]  }
0x2: {  	s1 =	srdreg.scid;
	s2 =	rddreg [dreg:$0x1]  }
0x3: {  	s6 =	rddreg [dreg:$0x2];
	s20 =	stileid.u32  }
0x4: {  	s3 =	rddreg [dreg:$0x3];
	s28 =	simm.s32 $0x2;
	s7 =	smul.u32 $0x14000, s20  }
0x5: {  	s29 =	simm.s32 $0x4;
	s30 =	simm.s32 $0x2800;
	s8 =	smul.u32 $0x280, s20  }
0x6: {  	s31 =	simm.s32 $0x2880;
	s1 =	sand.u32 $0x1, s1;
	s14 =	smul.u32 $0x500, s20  }
0x7: {  	s15 =	smul.u32 $0x50000, s20;
	s24 =	sshll.u32 s20, $0x6;
	s4 =	sshll.u32 s1, $0x4  }
0x8: {  	s11 =	smul.u32 $0x140000, s1;
	s19 =	sshll.u32 s1, $0x7;
	s22 =	ssub.s32 $0x2, s1  }
0x9: {  	s1 =	smul.u32 $0x5000, s1;
	s5 =	sor.u32 s20, s4;
	s4 =	rddreg [dreg:$0x4]  }
0xa: {  	s9 =	sshrl.u32 s7, $0x3;
	s13 =	sshrl.u32 s8, $0x3;
	s21 =	sor.u32 s19, s14  }
0xb: {  	s17 =	sshrl.u32 s22, $0x1;
	s15 =	sshrl.u32 s15, $0x2;
	s20 =	simm.s32 $0x80  }
0xc: {  	s10 =	smul.u32 $0x500, s5;
	s5 =	simm.s32 $0x0;
	s9 =	sadd.s32 s9, s6  }
0xd: {  	s13 =	sadd.s32 s13, s6;
	s7 =	sadd.s32 s7, s11;
	s17 =	ssub.s32 s22, s17  }
0xe: {  	s19 =	sadd.s32 s15, s3;
	s25 =	sadd.s32 s8, s4;
	s1 =	sadd.s32 s1, s2  }
0xf: {  	s22 =	simm.s32 $0x6900;
	[smem:$0x7FF] =	sst s5;
	s7 =	sshrl.u32 s7, $0x3  }
0x10: {  	s23 =	sadd.s32 $0xC200, s9;
	s26 =	sadd.s32 $0x34200, s13;
	s1 =	sadd.s32 s14, s1  }
0x11: {  	s14 =	smax.u32 s17, $0x1;
	s17 =	sshrl.u32 s25, $0x3;
	s25 =	simm.s32 $0xA900  }
0x12: {  	_ =	strace $0x80000047;
	s12 =	sadd.s32 s10, s6;
	[dreg:$0x6] =	wrdreg s23  }
0x13: {  	s16 =	sadd.s32 s7, s6;
	s7 =	sshrl.u32 s21, $0x3;
	[dreg:$0x7] =	wrdreg s26  }
0x14: {  	s10 =	sadd.s32 s2, s10;
	s15 =	sadd.s32 $0x30, s1;
	s21 =	simm.s32 $0x2900  }
0x15: {  	s23 =	simm.s32 $0x5;
	s26 =	simm.s32 $0x3;
	s18 =	sadd.s32 s7, s6  }
0x16: {  	s7 =	sor.u32 $0x1C05, s24;
	s9 =	sadd.s32 $0x2200, s12;
	s11 =	sadd.s32 $0x10, s10  }
0x17: {  	s12 =	sadd.s32 $0x35200, s16;
	s16 =	sshrl.u32 s19, $0x3;
	s19 =	simm.s32 $0x6  }
0x18: {  	v0 =	vimm.f32 $1.000000000e+00;
	s24 =	simm.s32 $0x1;
	s13 =	sadd.s32 $0x34800, s18;
	s18 =	simm.s32 $0x0  }
.LBB2_1:
0x19: {  	s1 =	rddreg [dreg:$0x6]  }
0x1a: {  	[spmem:s16], [sflag:s7] =	dma.local [hbm:s1], $0x2800  }
0x1b: {  	s8 =	simm.s32 $0x100;
	s1 =	rddreg [dreg:$0x7]  }
0x1c: {  	[spmem:s17], [sflag:s7] =	dma.local [hbm:s1], $0x50  }
0x1d: {  	[tilespmem:s8], [sflag:$0x6] =	stream.linear.gather [hbm4b:s9+s5], $0x2800, $0x38;
	[tilespmem:$0x1EC00] =	vst v63  }
0x1e: {  	_ =	swait.ge [sflag:s19], $0x2800  }
0x1f: {  	[sflag:s19] =	ssyncset.done $0x0  }
0x20: {  	[sflag:s19] =	ssyncadd.s32 $0xFFFFD800  }
0x21: {  	[tilespmem:$0xA900] =	vst v0  }
0x22: {  	[tilespmem:$0xA910] =	vst v0  }
0x23: {  	[tilespmem:$0xA920] =	vst v0  }
0x24: {  	[tilespmem:$0xA930] =	vst v0  }
0x25: {  	[tilespmem:$0xA940] =	vst v0  }
0x26: {  	[tilespmem:$0xA950] =	vst v0  }
0x27: {  	[tilespmem:$0xA960] =	vst v0  }
0x28: {  	[tilespmem:$0xA970] =	vst v0  }
0x29: {  	[tilespmem:s5], [sflag:$0x6] =	stream.linear.gather [hbm4b:s10+s5], $0x80, $0x38;
	[tilespmem:$0x1EC00] =	vst v63  }
0x2a: {  	_ =	swait.ge [sflag:s19], $0x80  }
0x2b: {  	[sflag:s19] =	ssyncset.done $0x0  }
0x2c: {  	[sflag:s19] =	ssyncadd.s32 $0xFFFFFF80  }
0x2d: {  	[tilespmem:s20], [sflag:$0x6] =	stream.linear.gather [hbm4b:s11+s5], $0x80, $0x38;
	[tilespmem:$0x1EC00] =	vst v63  }
0x2e: {  	_ =	swait.ge [sflag:s19], $0x80  }
0x2f: {  	[sflag:s19] =	ssyncset.done $0x0  }
0x30: {  	[sflag:s19] =	ssyncadd.s32 $0xFFFFFF80  }
0x31: {  	[tilespmem:s21], [sflag:$0x1] =	stream.indirect.gather [hbm4b:s0+s20], $0x80, s5, s20, $0xb8;
	[tilespmem:$0x1EC00] =	vst v63  }
0x32: {  	_ = 	snop  }
0x33: {  	[tilespmem:s22], [sflag:$0x2] =	stream.indirect.gather [hbm4b:s0+s20], $0x80, s20, s20, $0xb8;
	[tilespmem:$0x1EC00] =	vst v63  }
0x34: {  	_ =	swait.ge [sflag:s23], $0x2800  }
0x35: {  	[sflag:s23] =	ssyncset.done $0x0  }
0x36: {  	[sflag:s23] =	ssyncadd.s32 $0xFFFFD800  }
0x37: {  	_ =	swait.ge [sflag:s23], $0x50  }
0x38: {  	[sflag:s23] =	ssyncset.done $0x0  }
0x39: {  	[sflag:s23] =	ssyncadd.s32 $0xFFFFFFB0  }
0x3a: {  	[bflag:$0x0] =	sbarrier.arrive $0xFFFF  }
0x3b: {  	_ =	swait.ge [sflag:s24], $0x4000  }
0x3c: {  	[sflag:s24] =	ssyncset.done $0x0  }
0x3d: {  	s2 =	sadd.s32 $0xFFFFFFF0, s15;
	[sflag:s24] =	ssyncadd.s32 $0xFFFFC000  }
0x3e: {  	[tilespmem:s5], [sflag:$0x3] =	stream.linear.gather [hbm4b:s2+s5], $0x80, $0x38;
	[tilespmem:$0x1EC00] =	vst v63  }
0x3f: {  	s6 =	simm.s32 $0x100  }
0x40: {  	[spmem:s4] =	stream.indirect.scatter.add.f32 [tilespmem:s25], [sflag:$0x6], $0x1, s6, s20, $0xb8;
	[tilespmem:$0x1EC00] =	vst v63  }
0x41: {  	_ =	swait.ge [sflag:s19], $0x80  }
0x42: {  	[sflag:s19] =	ssyncset.done $0x0  }
0x43: {  	[sflag:s19] =	ssyncadd.s32 $0xFFFFFF80  }
0x44: {  	[spmem:s3] =	stream.indirect.scatter.add.f32 [tilespmem:s21], [sflag:$0x6], $0x80, s6, s20, $0xb8;
	[tilespmem:$0x1EC00] =	vst v63  }
0x45: {  	_ =	swait.ge [sflag:s19], $0x4000  }
0x46: {  	[sflag:s19] =	ssyncset.done $0x0  }
0x47: {  	[sflag:s19] =	ssyncadd.s32 $0xFFFFC000  }
0x48: {  	_ =	swait.ge [sflag:s26], $0x80  }
0x49: {  	[sflag:s26] =	ssyncset.done $0x0  }
0x4a: {  	[sflag:s26] =	ssyncadd.s32 $0xFFFFFF80  }
0x4b: {  	[tilespmem:s21], [sflag:$0x1] =	stream.indirect.gather [hbm4b:s0+s20], $0x80, s5, s20, $0xb8;
	[tilespmem:$0x1EC00] =	vst v63  }
0x4c: {  	_ =	swait.ge [sflag:s28], $0x4000  }
0x4d: {  	[sflag:s28] =	ssyncset.done $0x0  }
0x4e: {  	[sflag:s28] =	ssyncadd.s32 $0xFFFFC000  }
0x4f: {  	[tilespmem:s20], [sflag:$0x4] =	stream.linear.gather [hbm4b:s15+s5], $0x80, $0x38;
	[tilespmem:$0x1EC00] =	vst v63  }
0x50: {  	s8 =	simm.s32 $0x180  }
0x51: {  	[spmem:s4] =	stream.indirect.scatter.add.f32 [tilespmem:s25], [sflag:$0x6], $0x1, s8, s20, $0xb8;
	[tilespmem:$0x1EC00] =	vst v63  }
0x52: {  	_ =	swait.ge [sflag:s19], $0x80  }
0x53: {  	[sflag:s19] =	ssyncset.done $0x0  }
0x54: {  	[sflag:s19] =	ssyncadd.s32 $0xFFFFFF80  }
0x55: {  	[spmem:s3] =	stream.indirect.scatter.add.f32 [tilespmem:s22], [sflag:$0x6], $0x80, s8, s20, $0xb8;
	[tilespmem:$0x1EC00] =	vst v63  }
0x56: {  	_ =	swait.ge [sflag:s19], $0x4000  }
0x57: {  	[sflag:s19] =	ssyncset.done $0x0  }
0x58: {  	[sflag:s19] =	ssyncadd.s32 $0xFFFFC000  }
0x59: {  	_ =	swait.ge [sflag:s29], $0x80  }
0x5a: {  	[sflag:s29] =	ssyncset.done $0x0  }
0x5b: {  	s1 =	sadd.s32 $0x20, s15;
	s2 =	simm.s32 $0x400;
	[sflag:s29] =	ssyncadd.s32 $0xFFFFFF80  }
.LBB2_2:
0x5c: {  	[tilespmem:s22], [sflag:$0x2] =	stream.indirect.gather [hbm4b:s0+s20], $0x80, s20, s20, $0xb8;
	[tilespmem:$0x1EC00] =	vst v63  }
0x5d: {  	s6 =	smov.u32 s2  }
0x5e: {  	p0 =	sne.s32 s2, $0x9800;
	s2 =	sadd.s32 $0x400, s2;
	_ =	swait.ge [sflag:s24], $0x4000  }
0x5f: {  	[sflag:s24] =	ssyncset.done $0x0  }
0x60: {  	s8 =	sadd.s32 $0xFFFFFFF0, s1;
	s6 =	sshra.s32 s6, $0x2;
	[sflag:s24] =	ssyncadd.s32 $0xFFFFC000  }
0x61: {  	[tilespmem:s5], [sflag:$0x3] =	stream.linear.gather [hbm4b:s8+s5], $0x80, $0x38;
	[tilespmem:$0x1EC00] =	vst v63  }
0x62: {  	s8 =	sadd.s32 $0x100, s6  }
0x63: {  	[spmem:s4] =	stream.indirect.scatter.add.f32 [tilespmem:s25], [sflag:$0x6], $0x1, s8, s20, $0xb8;
	[tilespmem:$0x1EC00] =	vst v63  }
0x64: {  	_ =	swait.ge [sflag:s19], $0x80  }
0x65: {  	[sflag:s19] =	ssyncset.done $0x0  }
0x66: {  	[sflag:s19] =	ssyncadd.s32 $0xFFFFFF80  }
0x67: {  	[spmem:s3] =	stream.indirect.scatter.add.f32 [tilespmem:s21], [sflag:$0x6], $0x80, s8, s20, $0xb8;
	[tilespmem:$0x1EC00] =	vst v63  }
0x68: {  	_ =	swait.ge [sflag:s19], $0x4000  }
0x69: {  	[sflag:s19] =	ssyncset.done $0x0  }
0x6a: {  	[sflag:s19] =	ssyncadd.s32 $0xFFFFC000  }
0x6b: {  	_ =	swait.ge [sflag:s26], $0x80  }
0x6c: {  	[sflag:s26] =	ssyncset.done $0x0  }
0x6d: {  	[sflag:s26] =	ssyncadd.s32 $0xFFFFFF80  }
0x6e: {  	[tilespmem:s21], [sflag:$0x1] =	stream.indirect.gather [hbm4b:s0+s20], $0x80, s5, s20, $0xb8;
	[tilespmem:$0x1EC00] =	vst v63  }
0x6f: {  	_ =	swait.ge [sflag:s28], $0x4000  }
0x70: {  	[sflag:s28] =	ssyncset.done $0x0  }
0x71: {  	[sflag:s28] =	ssyncadd.s32 $0xFFFFC000  }
0x72: {  	[tilespmem:s20], [sflag:$0x4] =	stream.linear.gather [hbm4b:s1+s5], $0x80, $0x38;
	[tilespmem:$0x1EC00] =	vst v63  }
0x73: {  	s6 =	sadd.s32 $0x180, s6  }
0x74: {  	[spmem:s4] =	stream.indirect.scatter.add.f32 [tilespmem:s25], [sflag:$0x6], $0x1, s6, s20, $0xb8;
	[tilespmem:$0x1EC00] =	vst v63  }
0x75: {  	_ =	swait.ge [sflag:s19], $0x80  }
0x76: {  	[sflag:s19] =	ssyncset.done $0x0  }
0x77: {  	[sflag:s19] =	ssyncadd.s32 $0xFFFFFF80  }
0x78: {  	[spmem:s3] =	stream.indirect.scatter.add.f32 [tilespmem:s22], [sflag:$0x6], $0x80, s6, s20, $0xb8;
	[tilespmem:$0x1EC00] =	vst v63  }
0x79: {  	_ =	swait.ge [sflag:s19], $0x4000  }
.Ltmp0:
0x7a: {  	[sflag:s19] =	ssyncset.done $0x0;
	(pc) =	sbr.rel @p0 .LBB2_2-.Ltmp0, $4  }
0x7b: {  	[sflag:s19] =	ssyncadd.s32 $0xFFFFC000  }
0x7c: {  	_ =	swait.ge [sflag:s29], $0x80  }
0x7d: {  	[sflag:s29] =	ssyncset.done $0x0  }
0x7e: {  	s1 =	sadd.s32 $0x20, s1;
	[sflag:s29] =	ssyncadd.s32 $0xFFFFFF80  }
0x7f: {  	[tilespmem:s22], [sflag:$0x2] =	stream.indirect.gather [hbm4b:s0+s20], $0x80, s20, s20, $0xb8;
	[tilespmem:$0x1EC00] =	vst v63  }
0x80: {  	_ =	swait.ge [sflag:s24], $0x4000  }
0x81: {  	[sflag:s24] =	ssyncset.done $0x0  }
0x82: {  	[sflag:s24] =	ssyncadd.s32 $0xFFFFC000  }
0x83: {  	[spmem:s4] =	stream.indirect.scatter.add.f32 [tilespmem:s25], [sflag:$0x6], $0x1, s30, s20, $0xb8;
	[tilespmem:$0x1EC00] =	vst v63  }
0x84: {  	_ =	swait.ge [sflag:s19], $0x80  }
0x85: {  	[sflag:s19] =	ssyncset.done $0x0  }
0x86: {  	[sflag:s19] =	ssyncadd.s32 $0xFFFFFF80  }
0x87: {  	[spmem:s3] =	stream.indirect.scatter.add.f32 [tilespmem:s21], [sflag:$0x6], $0x80, s30, s20, $0xb8;
	[tilespmem:$0x1EC00] =	vst v63  }
0x88: {  	_ =	swait.ge [sflag:s19], $0x4000  }
0x89: {  	[sflag:s19] =	ssyncset.done $0x0  }
0x8a: {  	[sflag:s19] =	ssyncadd.s32 $0xFFFFC000  }
0x8b: {  	_ =	swait.ge [sflag:s28], $0x4000  }
0x8c: {  	[sflag:s28] =	ssyncset.done $0x0  }
0x8d: {  	[sflag:s28] =	ssyncadd.s32 $0xFFFFC000  }
0x8e: {  	[spmem:s4] =	stream.indirect.scatter.add.f32 [tilespmem:s25], [sflag:$0x6], $0x1, s31, s20, $0xb8;
	[tilespmem:$0x1EC00] =	vst v63  }
0x8f: {  	_ =	swait.ge [sflag:s19], $0x80  }
0x90: {  	[sflag:s19] =	ssyncset.done $0x0  }
0x91: {  	[sflag:s19] =	ssyncadd.s32 $0xFFFFFF80  }
0x92: {  	[spmem:s3] =	stream.indirect.scatter.add.f32 [tilespmem:s22], [sflag:$0x6], $0x80, s31, s20, $0xb8;
	[tilespmem:$0x1EC00] =	vst v63  }
0x93: {  	_ =	swait.ge [sflag:s19], $0x4000  }
0x94: {  	[sflag:s19] =	ssyncset.done $0x0  }
0x95: {  	s1 =	simm.s32 $0x20;
	[sflag:s19] =	ssyncadd.s32 $0xFFFFC000  }
0x96: {  	s2 =	simm.s32 $0x10;
	s18 =	sadd.s32 $0x1, s18;
	[bflag:$0x0] =	sbarrier.arrive $0xFFFF  }
0x97: {  	[hbm:s12], [sflag:s7] =	dma.local [spmem:s16], $0x2800  }
0x98: {  	[hbm:s13@s1], [sflag:s7] =	dma.strided [spmem:s17@s2], $0x50, s24, $0x10   }
0x99: {  	p0 =	sne.s32 s18, s14;
	_ =	swait.ge [sflag:s23], $0x2800  }
.Ltmp1:
0x9a: {  	[sflag:s23] =	ssyncset.done $0x0;
	(pc) =	sbr.rel @p0 .LBB2_1-.Ltmp1, $4  }
0x9b: {  	[sflag:s23] =	ssyncadd.s32 $0xFFFFD800  }
0x9c: {  	_ =	swait.ge [sflag:s23], $0x50  }
0x9d: {  	[sflag:s23] =	ssyncset.done $0x0  }
0x9e: {  	[sflag:s23] =	ssyncadd.s32 $0xFFFFFFB0  }
0x9f: {  	_ =	sfence.sel $0x180000  }
0xa0: {  	[bflag:$0x0] =	sbarrier.arrive $0xFFFF  }
0xa1: {  	_ =	strace $0x90000047  }
0xa2: {  	s0 =	stileid.u32;
	[bflag:$0x2] =	sbarrier.arrive $0xFFFF  }
0xa3: {  	p0 =	sne.s32 s0, $0x0;
	s0 =	rddreg [dreg:$0x5]  }
0xa4: {  	s0 =	sadd.s32 @!p0 $0x100000, s0  }
0xa5: {  	[sflag:s0] =	ssyncadd.tile.s32 @!p0 $0x1;
	_ =	shalt  }
.Lfunc_end2:
_tile_overlayer_lowered:
.L_overlay_start_2:
0xa6: {  	(tag) =	ssettag $0x2  }
0xa7: {  	s0 =	rddreg [dreg:$0x0];
	s2 =	stileid.u32  }
0xa8: {  	s1 =	rddreg [dreg:$0x1];
	p0 =	sne.s32 s2, $0x0  }
0xa9: {  	s3 =	rddreg [dreg:$0x2];
	[bflag:$0x3] =	sbarrier.arrive $0xFFFF;
	s2 =	simm.s32 @!p0 $0x1C06  }
0xaa: {  	[timem:s3], [sflag:s2] =	dma.local @!p0 [hbm:s0], s1  }
0xab: {  	s0 =	simm.s32 @!p0 $0x6  }
0xac: {  	_ =	swait.ge @!p0 [sflag:s0], s1  }
0xad: {  	s1 =	ssub.s32 @!p0 $0x0, s1;
	[sflag:s0] =	ssyncset.done @!p0 $0x0  }
0xae: {  	[sflag:s0] =	ssyncadd.s32 @!p0 s1  }
0xaf: {  	[bflag:$0x3] =	sbarrier.arrive $0xFFFF  }
0xb0: {  	_ =	shalt  }

// kernel: sage_scatter_l1.3.cloned.1.call-start
scs
__scs_entry_jumppad:
0x0: {  	(pc) =	sbr.rel $0x88, $3  }
0x1: {  	(tag) =	ssettag $0x0;
	lr =	simm.s32 $0x1  }
0x2: {  	[smem:$0x3F97] =	sst lr;
	_ =	strace $0xD0000000  }
0x3: {  	_ = 	snop  }
0x4: {  	_ = 	snop  }
0x5: {  	_ = 	snop  }
0x6: {  	_ = 	snop  }
0x7: {  	_ = 	snop  }
__scs_overlays_trampoline_lowered:
0x8: {  	[smem:$0x3FA6] =	sst s0  }
0x9: {  	[smem:$0x3FA7] =	sst s1  }
0xa: {  	[smem:$0x3FA8] =	sst s2  }
0xb: {  	[smem:$0x3FA9] =	sst s3  }
0xc: {  	[smem:$0x3FAA] =	sst s4  }
0xd: {  	[smem:$0x3FAB] =	sst s5  }
0xe: {  	[smem:$0x3FAC] =	sst s6  }
0xf: {  	[smem:$0x3FAD] =	sst s7  }
0x10: {  	[smem:$0x3FAE] =	sst s8  }
0x11: {  	[smem:$0x3FAF] =	sst s9;
	s0 =	simm.s32 @!p0 $0x0  }
0x12: {  	s1 =	sld [smem:$0x3F95];
	s0 =	simm.s32 @p0 $0x1  }
0x13: {  	[smem:$0x3FB0] =	sst s0;
	s0 =	simm.s32 @!p1 $0x0  }
0x14: {  	s2 =	sld [smem:$0x3F94];
	s0 =	simm.s32 @p1 $0x1  }
0x15: {  	[smem:$0x3FB1] =	sst s0;
	s0 =	simm.s32 @!p2 $0x0  }
0x16: {  	s3 =	sld [smem:$0x3FDB];
	s0 =	simm.s32 @p2 $0x1  }
0x17: {  	s4 =	simm.s32 $0x1BF5;
	[smem:$0x3FB3] =	sst s0  }
0x18: {  	s0 =	sld [smem:$0x3F96];
	_ =	swait.ge [sflag:s4], $0x0  }
0x19: {  	s7 =	sld [smem:$0x3F97]  }
0x1a: {  	s8 =	sadd.s32 $0xFFFFE003, lr  }
0x1b: {  	s9 =	sadd.s32 $0xFFFFFEF7, lr;
	s5 =	simm.s32 $0xFFFFFFFF;
	p2 =	slt.u32 s8, $0xFFFFF086  }
0x1c: {  	p1 =	slt.u32 s9, $0xF7A;
	s5 =	simm.s32 @!p2 $0x0  }
0x1d: {  	s5 =	simm.s32 @p1 $0x1;
	p0 =	seq.s32 s7, s2  }
0x1e: {  	s7 =	smul.u32 @!p0 $0xF7A, s2;
	p2 =	seq.s32 @!p0 s5, $0x0  }
0x1f: {  	s9 =	smul.u32 $0xF7A, s1;
	s8 =	simm.s32 @!p0 $0x1BF5;
	p2 =	por !p2, p0  }
0x20: {  	[sflag:s8] =	ssyncset.s32 @!p0 $0xFFFFF086;
	s6 =	sadd.s32 @!p0 s3, s7;
	s7 =	simm.s32 @!p0 $0x108  }
0x21: {  	s3 =	sadd.s32 s3, s9;
	s6 =	sadd.s32 @!p0 $0x88, s6;
	s7 =	simm.s32 @p2 $0x1082  }
0x22: {  	[simem:s7], [sflag:s8] =	dma.local @!p0 [hbm:s6], $0xF7A  }
0x23: {  	s9 =	sor.u32 $0xD0000000, s2;
	s6 =	simm.s32 $0x108;
	_ =	swait.ge @!p0 [sflag:s8], $0x0  }
0x24: {  	s3 =	sadd.s32 $0x88, s3;
	s6 =	simm.s32 @!p1 $0x1082;
	[sflag:s4] =	ssyncset.s32 $0xFFFFF086  }
0x25: {  	[simem:s6], [sflag:s4] =	dma.local [hbm:s3], $0xF7A  }
0x26: {  	[smem:$0x3F97] =	sst s1;
	(tag) =	ssettag s2;
	_ =	strace s9  }
0x27: {  	s1 =	sld [smem:$0x3FA7]  }
0x28: {  	s2 =	sld [smem:$0x3FA8]  }
0x29: {  	s4 =	sld [smem:$0x3FAA]  }
0x2a: {  	p0 =	seq.s32 s5, $0x0;
	s5 =	sld [smem:$0x3FAB]  }
0x2b: {  	s6 =	sld [smem:$0x3FAC]  }
0x2c: {  	s7 =	sld [smem:$0x3FAD]  }
0x2d: {  	s3 =	simm.s32 $0x108;
	s8 =	sld [smem:$0x3FAE]  }
0x2e: {  	s3 =	simm.s32 @!p0 $0x1082;
	s9 =	sld [smem:$0x3FAF]  }
0x2f: {  	lr =	sadd.s32 s0, s3;
	s0 =	sld [smem:$0x3FA6]  }
0x30: {  	s3 =	sld [smem:$0x3FA9]  }
0x31: {  	[smem:$0x3FB2] =	sst s10  }
0x32: {  	s10 =	sld [smem:$0x3FB0];
	_ =	sdelay $0x3  }
0x33: {  	p0 =	seq.s32 s10, $0x1;
	s10 =	sld [smem:$0x3FB2];
	_ =	sdelay $0x3  }
0x34: {  	[smem:$0x3FB2] =	sst s10  }
0x35: {  	s10 =	sld [smem:$0x3FB1];
	_ =	sdelay $0x3  }
0x36: {  	p1 =	seq.s32 s10, $0x1;
	s10 =	sld [smem:$0x3FB2];
	_ =	sdelay $0x3  }
0x37: {  	[smem:$0x3FB2] =	sst s10  }
0x38: {  	s10 =	sld [smem:$0x3FB3]  }
0x39: {  	_ = 	snop;
	(pc) =	sbr.ind lr, $3  }
0x3a: {  	_ = 	snop  }
0x3b: {  	_ = 	snop  }
0x3c: {  	p2 =	seq.s32 s10, $0x1;
	s10 =	sld [smem:$0x3FB2]  }
0x3d: {  	_ =	shalt  }
0x3e: {  	_ =	shalt  }
0x3f: {  	_ =	shalt  }
0x40: {  	_ =	shalt  }
0x41: {  	_ =	shalt  }
0x42: {  	_ =	shalt  }
0x43: {  	_ =	shalt  }
0x44: {  	_ =	shalt  }
0x45: {  	_ =	shalt  }
0x46: {  	_ =	shalt  }
0x47: {  	_ =	shalt  }
0x48: {  	_ =	shalt  }
0x49: {  	_ =	shalt  }
0x4a: {  	_ =	shalt  }
0x4b: {  	_ =	shalt  }
0x4c: {  	_ =	shalt  }
0x4d: {  	_ =	shalt  }
0x4e: {  	_ =	shalt  }
0x4f: {  	_ =	shalt  }
0x50: {  	_ =	shalt  }
0x51: {  	_ =	shalt  }
0x52: {  	_ =	shalt  }
0x53: {  	_ =	shalt  }
0x54: {  	_ =	shalt  }
0x55: {  	_ =	shalt  }
0x56: {  	_ =	shalt  }
0x57: {  	_ =	shalt  }
0x58: {  	_ =	shalt  }
0x59: {  	_ =	shalt  }
0x5a: {  	_ =	shalt  }
0x5b: {  	_ =	shalt  }
0x5c: {  	_ =	shalt  }
0x5d: {  	_ =	shalt  }
0x5e: {  	_ =	shalt  }
0x5f: {  	_ =	shalt  }
0x60: {  	_ =	shalt  }
0x61: {  	_ =	shalt  }
0x62: {  	_ =	shalt  }
0x63: {  	_ =	shalt  }
0x64: {  	_ =	shalt  }
0x65: {  	_ =	shalt  }
0x66: {  	_ =	shalt  }
0x67: {  	_ =	shalt  }
0x68: {  	_ =	shalt  }
0x69: {  	_ =	shalt  }
0x6a: {  	_ =	shalt  }
0x6b: {  	_ =	shalt  }
0x6c: {  	_ =	shalt  }
0x6d: {  	_ =	shalt  }
0x6e: {  	_ =	shalt  }
0x6f: {  	_ =	shalt  }
0x70: {  	_ =	shalt  }
0x71: {  	_ =	shalt  }
0x72: {  	_ =	shalt  }
0x73: {  	_ =	shalt  }
0x74: {  	_ =	shalt  }
0x75: {  	_ =	shalt  }
0x76: {  	_ =	shalt  }
0x77: {  	_ =	shalt  }
0x78: {  	_ =	shalt  }
0x79: {  	_ =	shalt  }
0x7a: {  	_ =	shalt  }
0x7b: {  	_ =	shalt  }
0x7c: {  	_ =	shalt  }
0x7d: {  	_ =	shalt  }
0x7e: {  	_ =	shalt  }
0x7f: {  	_ =	shalt  }
0x80: {  	_ =	shalt  }
0x81: {  	_ =	shalt  }
0x82: {  	_ =	shalt  }
0x83: {  	_ =	shalt  }
0x84: {  	_ =	shalt  }
0x85: {  	_ =	shalt  }
0x86: {  	_ =	shalt  }
0x87: {  	_ =	shalt  }
.Lfunc_end0:
.L_simem_size_0:
called_computation.1_lowered:
.L_overlay_start_0:
0x88: {  	s2 =	sld [smem:$0x3FD9]  }
0x89: {  	s3 =	sld [smem:$0x3FFE];
	_ =	sdelay $0x1  }
0x8a: {  	s1 =	srdreg.scid  }
0x8b: {  	s0 =	sand.u32 $0x1, s1  }
0x8c: {  	s17 =	sshll.u32 s0, $0xA;
	s2 =	sadd.s32 s3, s2  }
0x8d: {  	s2 =	sadd.s32 s2, s17  }
0x8e: {  	[smem:$0x3FBE] =	sst s2  }
0x8f: {  	_ = 	snop  }
0x90: {  	s2 =	sld [smem:$0x3FD0];
	(tm) =	ssettm $0x1  }
0x91: {  	s18 =	sld [smem:$0x3FFB];
	_ =	sdelay $0x3  }
0x92: {  	_ =	strace s18  }
0x93: {  	s3 =	sld [smem:$0x3FFC];
	_ =	sdelay $0x3  }
0x94: {  	_ =	strace s3  }
0x95: {  	s3 =	sld [smem:$0x3FFD];
	_ =	sdelay $0x3  }
0x96: {  	_ =	strace s3  }
0x97: {  	_ =	strace $0x8FFFFFFF  }
0x98: {  	s19 =	sld [smem:$0x3FDB];
	_ =	sdelay $0x1  }
0x99: {  	s4 =	simm.s32 $_scs_section_size  }
0x9a: {  	s5 =	simm.s32 $_size__tile_overlayer_lowered;
	s6 =	simm.s32 $_tile_overlayer_lowered  }
0x9b: {  	s22 =	simm.s32 $0x1BFF;
	s21 =	sshll.u32 s6, $0x1;
	s3 =	sadd.s32 s4, s19  }
0x9c: {  	s7 =	simm.s32 $0x0;
	s20 =	sshll.u32 s5, $0x1;
	s5 =	sadd.s32 s21, s3  }
0x9d: {  	[timem:s7], [sflag:s22] =	dma.local [hbm:s5], s20  }
0x9e: {  	_ =	swait.ge [sflag:s22], s20  }
0x9f: {  	s4 =	ssub.s32 $0x0, s20;
	[sflag:s22] =	ssyncset.done $0x0  }
0xa0: {  	[sflag:s22] =	ssyncadd.s32 s4;
	_ =	sdelay $0x1  }
0xa1: {  	s23 =	simm.s32 $0x1B8B  }
0xa2: {  	_ =	swait.ge [sflag:s23], $0x1  }
0xa3: {  	[sflag:s23] =	ssyncset.done $0x0  }
0xa4: {  	s25 =	simm.s32 $0x1B8E;
	s24 =	sld [smem:$0x3FFE];
	[sflag:s23] =	ssyncadd.s32 $0xFFFFFFFF  }
0xa5: {  	s26 =	simm.s32 $execute0_lowered;
	[smem:$0x3FD2] =	sst s25  }
0xa6: {  	s5 =	sshll.u32 s26, $0x1;
	_ =	strace $0x80000049;
	[dreg:$0x1] =	wrdreg $0xFFFFFFFF  }
0xa7: {  	s28 =	simm.s32 $_size_execute0_lowered;
	s3 =	sadd.s32 s3, s5;
	[dreg:$0x0] =	wrdreg $0x0  }
0xa8: {  	s5 =	sshll.u32 s28, $0x1;
	[dreg:$0x2] =	wrdreg s3  }
0xa9: {  	[dreg:$0x3] =	wrdreg s5  }
0xaa: {  	[dreg:$0x4] =	wrdreg $0xC0  }
0xab: {  	_ =	task [dreg:s7], $0x5FFFF  }
0xac: {  	[dreg:$0x1] =	wrdreg $0xFFFFFFFF  }
0xad: {  	[dreg:$0x0] =	wrdreg $0x60  }
0xae: {  	[dreg:$0x2] =	wrdreg s24  }
0xaf: {  	[dreg:$0x3] =	wrdreg s2  }
0xb0: {  	[dreg:$0x4] =	wrdreg $0xA9000  }
0xb1: {  	[dreg:$0x5] =	wrdreg $0x9  }
0xb2: {  	_ =	task.clear_ibuf [dreg:s7], $0x6FFFF;
	_ =	strace $0x90000049  }
0xb3: {  	s29 =	simm.s32 $0x9;
	_ =	strace $0x8000004B  }
0xb4: {  	_ =	swait.ge [sflag:s29], $0x1  }
0xb5: {  	[sflag:s29] =	ssyncadd.s32 $0xFFFFFFFF  }
0xb6: {  	_ =	strace $0x9000004B  }
0xb7: {  	_ =	sfence  }
0xb8: {  	s30 =	sld [smem:$0x0];
	_ =	sdelay $0x2  }
0xb9: {  	s31 =	sshll.u32 s1, $0xD;
	s1 =	sshrl.u32 s1, $0x2  }
0xba: {  	s3 =	sand.u32 $0x4000, s31;
	s1 =	sadd.s32 s1, s30  }
0xbb: {  	s0 =	sor.u32 s3, s0;
	s1 =	sshll.u32 s1, $0x11  }
0xbc: {  	s0 =	sor.u32 s1, s0  }
0xbd: {  	s0 =	sadd.s32 $0x8F2B, s0  }
0xbe: {  	[sflag:s0] =	ssyncadd.remote.s32 $0x1  }
0xbf: {  	_ =	sfence.sel $0xFFFF  }
0xc0: {  	[dreg:$0x0] =	wrdreg $0xFFFFFFFF;
	(pc) =	sbr.abs _section_cstart, $3  }
0xc1: {  	[dreg:$0x1] =	wrdreg $0xFFFFFFFF  }
0xc2: {  	_ =	task.clear_ibuf [dreg:s7], $0x2FFFF;
	_ =	strace $0x9FFFFFFF  }
0xc3: {  	(tm) =	ssettm $0x7FFFFFFF  }
tec
execute0_lowered:
.L_overlay_start_1:
0x0: {  	(tag) =	ssettag $0x1  }
0x1: {  	s5 =	rddreg [dreg:$0x0]  }
0x2: {  	s0 =	srdreg.scid;
	s11 =	rddreg [dreg:$0x1]  }
0x3: {  	s2 =	rddreg [dreg:$0x2];
	s3 =	simm.s32 $0x0;
	s18 =	simm.s32 $0x2900  }
0x4: {  	s19 =	simm.s32 $0x6900;
	s20 =	simm.s32 $0x5;
	s21 =	simm.s32 $0x1  }
0x5: {  	s22 =	simm.s32 $0x3;
	s7 =	sand.u32 $0x1, s0;
	s0 =	stileid.u32  }
0x6: {  	s23 =	simm.s32 $0x2;
	s24 =	simm.s32 $0x4;
	s6 =	smul.u32 $0x14000, s0  }
0x7: {  	s25 =	simm.s32 $0x2800;
	s26 =	simm.s32 $0x2880;
	s9 =	smul.u32 $0x140000, s7  }
0x8: {  	s28 =	simm.s32 $0x0;
	[smem:$0x7FF] =	sst s3;
	s13 =	smul.u32 $0x50000, s0  }
0x9: {  	s1 =	sshll.u32 s7, $0x4;
	_ =	strace $0x8000004A;
	s30 =	smul.u32 $0x5000, s7  }
0xa: {  	s29 =	ssub.s32 $0x2, s7;
	s31 =	smul.u32 $0x500, s0;
	s4 =	sor.u32 s0, s1  }
0xb: {  	s14 =	sshrl.u32 s29, $0x1;
	s8 =	smul.u32 $0x500, s4;
	s4 =	sadd.s32 $0x34200, s5  }
0xc: {  	s12 =	sshrl.u32 s6, $0x3;
	s6 =	sadd.s32 s6, s9;
	s13 =	sshrl.u32 s13, $0x2  }
0xd: {  	s14 =	ssub.s32 s29, s14;
	s17 =	sadd.s32 s30, s11;
	s12 =	sadd.s32 s12, s5  }
0xe: {  	s6 =	sshrl.u32 s6, $0x3;
	s16 =	sadd.s32 s13, s2;
	s13 =	sadd.s32 s31, s17  }
0xf: {  	s17 =	simm.s32 $0x80;
	s10 =	sadd.s32 s8, s5;
	s15 =	sadd.s32 s6, s5  }
0x10: {  	s5 =	sadd.s32 $0xC200, s12;
	s6 =	sshll.u32 s0, $0x6;
	s8 =	sadd.s32 s11, s8  }
0x11: {  	s12 =	smax.u32 s14, $0x1;
	s13 =	sadd.s32 $0x30, s13;
	s14 =	sshrl.u32 s16, $0x3  }
0x12: {  	s16 =	simm.s32 $0x6;
	s7 =	sor.u32 $0x1C05, s6;
	s9 =	sadd.s32 $0x2200, s10  }
0x13: {  	s10 =	sadd.s32 $0x10, s8;
	s11 =	sadd.s32 $0x5B400, s15;
	s15 =	simm.s32 $0x100  }
.LBB2_1:
0x14: {  	[spmem:s14], [sflag:s7] =	dma.local [hbm:s5], $0x2800  }
0x15: {  	[tilespmem:s15], [sflag:$0x6] =	stream.linear.gather [hbm4b:s9+s3], $0x2800, $0x38;
	[tilespmem:$0x1E900] =	vst v63  }
0x16: {  	_ =	swait.ge [sflag:s16], $0x2800  }
0x17: {  	[sflag:s16] =	ssyncset.done $0x0  }
0x18: {  	[sflag:s16] =	ssyncadd.s32 $0xFFFFD800  }
0x19: {  	[tilespmem:s3], [sflag:$0x6] =	stream.linear.gather [hbm4b:s8+s3], $0x80, $0x38;
	[tilespmem:$0x1E900] =	vst v63  }
0x1a: {  	_ =	swait.ge [sflag:s16], $0x80  }
0x1b: {  	[sflag:s16] =	ssyncset.done $0x0  }
0x1c: {  	[sflag:s16] =	ssyncadd.s32 $0xFFFFFF80  }
0x1d: {  	[tilespmem:s17], [sflag:$0x6] =	stream.linear.gather [hbm4b:s10+s3], $0x80, $0x38;
	[tilespmem:$0x1E900] =	vst v63  }
0x1e: {  	_ =	swait.ge [sflag:s16], $0x80  }
0x1f: {  	[sflag:s16] =	ssyncset.done $0x0  }
0x20: {  	[sflag:s16] =	ssyncadd.s32 $0xFFFFFF80  }
0x21: {  	[tilespmem:s18], [sflag:$0x1] =	stream.indirect.gather [hbm4b:s4+s17], $0x80, s3, s17, $0xb8;
	[tilespmem:$0x1E900] =	vst v63  }
0x22: {  	_ = 	snop  }
0x23: {  	[tilespmem:s19], [sflag:$0x2] =	stream.indirect.gather [hbm4b:s4+s17], $0x80, s17, s17, $0xb8;
	[tilespmem:$0x1E900] =	vst v63  }
0x24: {  	_ =	swait.ge [sflag:s20], $0x2800  }
0x25: {  	[sflag:s20] =	ssyncset.done $0x0  }
0x26: {  	[sflag:s20] =	ssyncadd.s32 $0xFFFFD800  }
0x27: {  	[bflag:$0x0] =	sbarrier.arrive $0xFFFF  }
0x28: {  	_ =	swait.ge [sflag:s21], $0x4000  }
0x29: {  	[sflag:s21] =	ssyncset.done $0x0  }
0x2a: {  	s29 =	sadd.s32 $0xFFFFFFF0, s13;
	[sflag:s21] =	ssyncadd.s32 $0xFFFFC000  }
0x2b: {  	[tilespmem:s3], [sflag:$0x3] =	stream.linear.gather [hbm4b:s29+s3], $0x80, $0x38;
	[tilespmem:$0x1E900] =	vst v63  }
0x2c: {  	s29 =	simm.s32 $0x100  }
0x2d: {  	[spmem:s2] =	stream.indirect.scatter.add.f32 [tilespmem:s18], [sflag:$0x6], $0x80, s29, s17, $0xb8;
	[tilespmem:$0x1E900] =	vst v63  }
0x2e: {  	_ =	swait.ge [sflag:s16], $0x4000  }
0x2f: {  	[sflag:s16] =	ssyncset.done $0x0  }
0x30: {  	[sflag:s16] =	ssyncadd.s32 $0xFFFFC000  }
0x31: {  	_ =	swait.ge [sflag:s22], $0x80  }
0x32: {  	[sflag:s22] =	ssyncset.done $0x0  }
0x33: {  	[sflag:s22] =	ssyncadd.s32 $0xFFFFFF80  }
0x34: {  	[tilespmem:s18], [sflag:$0x1] =	stream.indirect.gather [hbm4b:s4+s17], $0x80, s3, s17, $0xb8;
	[tilespmem:$0x1E900] =	vst v63  }
0x35: {  	_ =	swait.ge [sflag:s23], $0x4000  }
0x36: {  	[sflag:s23] =	ssyncset.done $0x0  }
0x37: {  	[sflag:s23] =	ssyncadd.s32 $0xFFFFC000  }
0x38: {  	[tilespmem:s17], [sflag:$0x4] =	stream.linear.gather [hbm4b:s13+s3], $0x80, $0x38;
	[tilespmem:$0x1E900] =	vst v63  }
0x39: {  	s29 =	simm.s32 $0x180  }
0x3a: {  	[spmem:s2] =	stream.indirect.scatter.add.f32 [tilespmem:s19], [sflag:$0x6], $0x80, s29, s17, $0xb8;
	[tilespmem:$0x1E900] =	vst v63  }
0x3b: {  	_ =	swait.ge [sflag:s16], $0x4000  }
0x3c: {  	[sflag:s16] =	ssyncset.done $0x0  }
0x3d: {  	[sflag:s16] =	ssyncadd.s32 $0xFFFFC000  }
0x3e: {  	_ =	swait.ge [sflag:s24], $0x80  }
0x3f: {  	[sflag:s24] =	ssyncset.done $0x0  }
0x40: {  	s30 =	sadd.s32 $0x20, s13;
	s29 =	simm.s32 $0x400;
	[sflag:s24] =	ssyncadd.s32 $0xFFFFFF80  }
.LBB2_2:
0x41: {  	[tilespmem:s19], [sflag:$0x2] =	stream.indirect.gather [hbm4b:s4+s17], $0x80, s17, s17, $0xb8;
	[tilespmem:$0x1E900] =	vst v63  }
0x42: {  	s31 =	smov.u32 s29  }
0x43: {  	p0 =	sne.s32 s29, $0x9800;
	s29 =	sadd.s32 $0x400, s29;
	_ =	swait.ge [sflag:s21], $0x4000  }
0x44: {  	[sflag:s21] =	ssyncset.done $0x0  }
0x45: {  	s1 =	sadd.s32 $0xFFFFFFF0, s30;
	s31 =	sshra.s32 s31, $0x2;
	[sflag:s21] =	ssyncadd.s32 $0xFFFFC000  }
0x46: {  	[tilespmem:s3], [sflag:$0x3] =	stream.linear.gather [hbm4b:s1+s3], $0x80, $0x38;
	[tilespmem:$0x1E900] =	vst v63  }
0x47: {  	s1 =	sadd.s32 $0x100, s31  }
0x48: {  	[spmem:s2] =	stream.indirect.scatter.add.f32 [tilespmem:s18], [sflag:$0x6], $0x80, s1, s17, $0xb8;
	[tilespmem:$0x1E900] =	vst v63  }
0x49: {  	_ =	swait.ge [sflag:s16], $0x4000  }
0x4a: {  	[sflag:s16] =	ssyncset.done $0x0  }
0x4b: {  	[sflag:s16] =	ssyncadd.s32 $0xFFFFC000  }
0x4c: {  	_ =	swait.ge [sflag:s22], $0x80  }
0x4d: {  	[sflag:s22] =	ssyncset.done $0x0  }
0x4e: {  	[sflag:s22] =	ssyncadd.s32 $0xFFFFFF80  }
0x4f: {  	[tilespmem:s18], [sflag:$0x1] =	stream.indirect.gather [hbm4b:s4+s17], $0x80, s3, s17, $0xb8;
	[tilespmem:$0x1E900] =	vst v63  }
0x50: {  	_ =	swait.ge [sflag:s23], $0x4000  }
0x51: {  	[sflag:s23] =	ssyncset.done $0x0  }
0x52: {  	[sflag:s23] =	ssyncadd.s32 $0xFFFFC000  }
0x53: {  	[tilespmem:s17], [sflag:$0x4] =	stream.linear.gather [hbm4b:s30+s3], $0x80, $0x38;
	[tilespmem:$0x1E900] =	vst v63  }
0x54: {  	s1 =	sadd.s32 $0x180, s31  }
0x55: {  	[spmem:s2] =	stream.indirect.scatter.add.f32 [tilespmem:s19], [sflag:$0x6], $0x80, s1, s17, $0xb8;
	[tilespmem:$0x1E900] =	vst v63  }
0x56: {  	_ =	swait.ge [sflag:s16], $0x4000  }
.Ltmp0:
0x57: {  	[sflag:s16] =	ssyncset.done $0x0;
	(pc) =	sbr.rel @p0 .LBB2_2-.Ltmp0, $4  }
0x58: {  	[sflag:s16] =	ssyncadd.s32 $0xFFFFC000  }
0x59: {  	_ =	swait.ge [sflag:s24], $0x80  }
0x5a: {  	[sflag:s24] =	ssyncset.done $0x0  }
0x5b: {  	s30 =	sadd.s32 $0x20, s30;
	[sflag:s24] =	ssyncadd.s32 $0xFFFFFF80  }
0x5c: {  	[tilespmem:s19], [sflag:$0x2] =	stream.indirect.gather [hbm4b:s4+s17], $0x80, s17, s17, $0xb8;
	[tilespmem:$0x1E900] =	vst v63  }
0x5d: {  	_ =	swait.ge [sflag:s21], $0x4000  }
0x5e: {  	[sflag:s21] =	ssyncset.done $0x0  }
0x5f: {  	[sflag:s21] =	ssyncadd.s32 $0xFFFFC000  }
0x60: {  	[spmem:s2] =	stream.indirect.scatter.add.f32 [tilespmem:s18], [sflag:$0x6], $0x80, s25, s17, $0xb8;
	[tilespmem:$0x1E900] =	vst v63  }
0x61: {  	_ =	swait.ge [sflag:s16], $0x4000  }
0x62: {  	[sflag:s16] =	ssyncset.done $0x0  }
0x63: {  	[sflag:s16] =	ssyncadd.s32 $0xFFFFC000  }
0x64: {  	_ =	swait.ge [sflag:s23], $0x4000  }
0x65: {  	[sflag:s23] =	ssyncset.done $0x0  }
0x66: {  	[sflag:s23] =	ssyncadd.s32 $0xFFFFC000  }
0x67: {  	[spmem:s2] =	stream.indirect.scatter.add.f32 [tilespmem:s19], [sflag:$0x6], $0x80, s26, s17, $0xb8;
	[tilespmem:$0x1E900] =	vst v63  }
0x68: {  	_ =	swait.ge [sflag:s16], $0x4000  }
0x69: {  	s28 =	sadd.s32 $0x1, s28;
	[sflag:s16] =	ssyncset.done $0x0  }
0x6a: {  	p0 =	sne.s32 s28, s12;
	[sflag:s16] =	ssyncadd.s32 $0xFFFFC000  }
.Ltmp1:
0x6b: {  	s1 =	sor.u32 $0x1C06, s6;
	[bflag:$0x0] =	sbarrier.arrive $0xFFFF;
	(pc) =	sbr.rel @p0 .LBB2_1-.Ltmp1, $4  }
0x6c: {  	[hbm:s11], [sflag:s1] =	dma.local [spmem:s14], $0x2800  }
0x6d: {  	_ =	swait.ge [sflag:s16], $0x2800  }
0x6e: {  	[sflag:s16] =	ssyncset.done $0x0  }
0x6f: {  	[sflag:s16] =	ssyncadd.s32 $0xFFFFD800  }
0x70: {  	_ =	sfence.sel $0x180000  }
0x71: {  	[bflag:$0x0] =	sbarrier.arrive $0xFFFF  }
0x72: {  	_ =	strace $0x9000004A  }
0x73: {  	[bflag:$0x2] =	sbarrier.arrive $0xFFFF  }
0x74: {  	p0 =	sne.s32 s0, $0x0;
	s0 =	rddreg [dreg:$0x3]  }
0x75: {  	s0 =	sadd.s32 @!p0 $0x100000, s0  }
0x76: {  	[sflag:s0] =	ssyncadd.tile.s32 @!p0 $0x1;
	_ =	shalt  }
.Lfunc_end2:
_tile_overlayer_lowered:
.L_overlay_start_2:
0x77: {  	(tag) =	ssettag $0x2  }
0x78: {  	s0 =	rddreg [dreg:$0x0];
	s2 =	stileid.u32  }
0x79: {  	s1 =	rddreg [dreg:$0x1];
	p0 =	sne.s32 s2, $0x0  }
0x7a: {  	s3 =	rddreg [dreg:$0x2];
	[bflag:$0x3] =	sbarrier.arrive $0xFFFF;
	s2 =	simm.s32 @!p0 $0x1C06  }
0x7b: {  	[timem:s3], [sflag:s2] =	dma.local @!p0 [hbm:s0], s1  }
0x7c: {  	s0 =	simm.s32 @!p0 $0x6  }
0x7d: {  	_ =	swait.ge @!p0 [sflag:s0], s1  }
0x7e: {  	s1 =	ssub.s32 @!p0 $0x0, s1;
	[sflag:s0] =	ssyncset.done @!p0 $0x0  }
0x7f: {  	[sflag:s0] =	ssyncadd.s32 @!p0 s1  }
0x80: {  	[bflag:$0x3] =	sbarrier.arrive $0xFFFF  }
0x81: {  	_ =	shalt  }

</sc_bundles>
